<compile_context>
chip_gen: v7x
topology: tpu7x:2x2x1
jax: 0.10.2.dev20260603
libtpu: 0.0.44.dev20260713+nightly
codegen_flags: <defaults>
</compile_context>

<pallas_src>
import jax
import jax.numpy as jnp
from jax import lax
from jax.experimental import pallas as pl
from jax.experimental.pallas import tpu as pltpu
from jax.experimental.pallas import tpu_sc as plsc

BATCH = 16384
LATENT_DIM = 32
NUM_CORES = 2
NUM_SUBCORES = 16
NUM_WORKERS = NUM_CORES * NUM_SUBCORES
ROWS_PER_WORKER = BATCH // NUM_WORKERS
IDX_CHUNK = 128
NUM_CHUNKS = ROWS_PER_WORKER // IDX_CHUNK
GROUPS = ROWS_PER_WORKER // 16


def _mf_kernel(user_hbm, item_hbm, uid_hbm, iid_hbm, out_hbm,
               uidx_v, iidx_v, urows_v, irows_v, out_v, sem):
    wid = lax.axis_index("s") * NUM_CORES + lax.axis_index("c")
    base = wid * ROWS_PER_WORKER
    idx_row0 = wid * NUM_CHUNKS

    pltpu.sync_copy(uid_hbm.at[pl.ds(idx_row0, NUM_CHUNKS)], uidx_v)
    pltpu.sync_copy(iid_hbm.at[pl.ds(idx_row0, NUM_CHUNKS)], iidx_v)

    copies = []
    for j in range(NUM_CHUNKS):
        dst = pl.ds(j * IDX_CHUNK, IDX_CHUNK)
        copies.append(pltpu.async_copy(user_hbm.at[uidx_v.at[j]],
                                       urows_v.at[dst], sem))
        copies.append(pltpu.async_copy(item_hbm.at[iidx_v.at[j]],
                                       irows_v.at[dst], sem))
    for c in copies:
        c.wait()

    lane = lax.iota(jnp.int32, 16)

    def group_body(g, carry):
        rows = g * 16 + lane
        acc = jnp.zeros((16,), jnp.float32)
        for d in range(LATENT_DIM):
            cols = jnp.full((16,), d, jnp.int32)
            u = plsc.load_gather(urows_v, [rows, cols])
            v = plsc.load_gather(irows_v, [rows, cols])
            acc = acc + u * v
        out_v[pl.ds(g * 16, 16)] = 1.0 / (1.0 + jnp.exp(-acc))
        return carry

    lax.fori_loop(0, GROUPS, group_body, 0)

    pltpu.sync_copy(out_v, out_hbm.at[pl.ds(base, ROWS_PER_WORKER)])


@jax.jit
def kernel(user_table, item_table, user_id, item_id):
    uid = user_id.astype(jnp.int32).reshape(NUM_WORKERS * NUM_CHUNKS, IDX_CHUNK)
    iid = item_id.astype(jnp.int32).reshape(NUM_WORKERS * NUM_CHUNKS, IDX_CHUNK)
    mesh = plsc.VectorSubcoreMesh(core_axis_name="c", subcore_axis_name="s")
    run = pl.kernel(
        _mf_kernel,
        mesh=mesh,
        compiler_params=pltpu.CompilerParams(
            needs_layout_passes=False, use_tc_tiling_on_sc=False),
        out_type=jax.ShapeDtypeStruct((BATCH,), jnp.float32),
        scratch_types=[
            pltpu.VMEM((NUM_CHUNKS, IDX_CHUNK), jnp.int32),
            pltpu.VMEM((NUM_CHUNKS, IDX_CHUNK), jnp.int32),
            pltpu.VMEM((ROWS_PER_WORKER, LATENT_DIM), jnp.float32),
            pltpu.VMEM((ROWS_PER_WORKER, LATENT_DIM), jnp.float32),
            pltpu.VMEM((ROWS_PER_WORKER,), jnp.float32),
            pltpu.SemaphoreType.DMA,
        ],
    )
    return run(user_table, item_table, uid, iid)

# --- scband reference (transcript-rebuilt; emitter-appended) ---
"""Pipeline reference for scband-mfnet-2585570312712 (READ-ONLY COPY).

The authoritative reference and input builder live on the scoring server;
editing this copy changes nothing except your own understanding.
"""

import jax, jax.numpy as jnp
import numpy as np

USER_NUM = 1000000
ITEM_NUM = 1000000
LATENT_DIM = 32
BATCH = 16384

def _xavier_uniform(key, shape):
    fan_in, fan_out = shape[0], shape[1]
    limit = float(np.sqrt(6.0 / (fan_in + fan_out)))
    return jax.random.uniform(key, shape, dtype=jnp.float32, minval=-limit, maxval=limit)

def setup_inputs(seed: int = 0) -> dict:
    key = jax.random.key(seed)
    k1, k2, k3, k4 = jax.random.split(key, 4)
    user_id = jax.random.randint(k1, (BATCH,), 0, USER_NUM, dtype=jnp.int64 if jax.config.jax_enable_x64 else jnp.int32)
    item_id = jax.random.randint(k2, (BATCH,), 0, ITEM_NUM, dtype=jnp.int64 if jax.config.jax_enable_x64 else jnp.int32)
    user_table = _xavier_uniform(k3, (USER_NUM, LATENT_DIM))
    item_table = _xavier_uniform(k4, (ITEM_NUM, LATENT_DIM))
    return {"user_table": user_table, "item_table": item_table, "user_id": user_id, "item_id": item_id}

def reference(user_table, item_table, user_id, item_id):
    # MFNet.forward: embed user and item, elementwise multiply, sum, sigmoid, squeeze
    user = jnp.take(user_table, user_id, axis=0)   # [B, D] gather
    item = jnp.take(item_table, item_id, axis=0)   # [B, D] gather
    out = jax.nn.sigmoid(jnp.sum(user * item, axis=-1))  # [B]
    return jnp.squeeze(out)

if __name__ == "__main__":
    import jax
    _d = setup_inputs()
    print(jax.jit(kernel)(*tuple(_d.values())))

</pallas_src>

<mosaic_0001>
#map = affine_map<(d0, d1) -> (0, 0)>
#map1 = affine_map<(d0, d1) -> (0)>
module attributes {stable_mosaic.version = 14 : i64} {
  func.func @_mf_kernel(%arg0: i32, %arg1: i32, %arg2: memref<1000000x32xf32, #tpu.memory_space<hbm>>, %arg3: memref<1000000x32xf32, #tpu.memory_space<hbm>>, %arg4: memref<128x128xi32, #tpu.memory_space<hbm>>, %arg5: memref<128x128xi32, #tpu.memory_space<hbm>>, %arg6: memref<16384xf32, #tpu.memory_space<hbm>>, %arg7: memref<4x128xi32, #tpu.memory_space<vmem>>, %arg8: memref<4x128xi32, #tpu.memory_space<vmem>>, %arg9: memref<512x32xf32, #tpu.memory_space<vmem>>, %arg10: memref<512x32xf32, #tpu.memory_space<vmem>>, %arg11: memref<512xf32, #tpu.memory_space<vmem>>, %arg12: memref<!tpu.dma_semaphore, #tpu.memory_space<semaphore_mem>>) attributes {dimension_semantics = [#tpu.dimension_semantics<core_parallel>, #tpu.dimension_semantics<subcore_parallel>], iteration_bounds = array<i64: 2, 16>, scalar_prefetch = 0 : i64, scratch_operands = 6 : i64, tpu.core_type = #tpu.core_type<sc_vector_subcore>, window_params = [{transform_indices = #map}, {transform_indices = #map}, {transform_indices = #map}, {transform_indices = #map}, {transform_indices = #map1}]} {
    %mul3A = arith.constant 2 : i32
    %mul3A_0 = arith.muli %arg1, %mul3A : i32
    %add3A = arith.addi %mul3A_0, %arg0 : i32
    %mul3A_1 = arith.constant 512 : i32
    %mul3A_2 = arith.muli %add3A, %mul3A_1 : i32
    %mul3A_3 = arith.constant 4 : i32
    %mul3A_4 = arith.muli %add3A, %mul3A_3 : i32
    "tpu.region"() ({
      %run_scoped3A = tpu.sem_alloc : memref<!tpu.dma_semaphore, #tpu.memory_space<semaphore_mem>>
      %dma_start3A_168 = arith.constant 0 : i32
      %dma_start3A_169 = tpu.memref_slice %arg4[%mul3A_4, %dma_start3A_168] : memref<128x128xi32, #tpu.memory_space<hbm>> -> memref<4x128xi32, #tpu.memory_space<hbm>>
      %dma_start3A_170 = arith.constant 0 : i32
      %dma_start3A_171 = tpu.memref_slice %arg4[%mul3A_4, %dma_start3A_170] : memref<128x128xi32, #tpu.memory_space<hbm>> -> memref<4x128xi32, #tpu.memory_space<hbm>>
      tpu.enqueue_dma source(%dma_start3A_171 : memref<4x128xi32, #tpu.memory_space<hbm>>) target(%arg7 : memref<4x128xi32, #tpu.memory_space<vmem>>) target_semaphore(%run_scoped3A : memref<!tpu.dma_semaphore, #tpu.memory_space<semaphore_mem>>)
      %dma_wait3A_172 = arith.constant 0 : i32
      %dma_wait3A_173 = tpu.memref_slice %arg4[%mul3A_4, %dma_wait3A_172] : memref<128x128xi32, #tpu.memory_space<hbm>> -> memref<4x128xi32, #tpu.memory_space<hbm>>
      %dma_wait3A_174 = arith.constant 0 : i32
      %dma_wait3A_175 = tpu.memref_slice %arg4[%mul3A_4, %dma_wait3A_174] : memref<128x128xi32, #tpu.memory_space<hbm>> -> memref<4x128xi32, #tpu.memory_space<hbm>>
      tpu.wait_dma2 semaphore(%run_scoped3A : memref<!tpu.dma_semaphore, #tpu.memory_space<semaphore_mem>>) src(%dma_wait3A_175 : memref<4x128xi32, #tpu.memory_space<hbm>>) dst(%arg7 : memref<4x128xi32, #tpu.memory_space<vmem>>)
      tpu.yield
    }) : () -> ()
    "tpu.region"() ({
      %run_scoped3A = tpu.sem_alloc : memref<!tpu.dma_semaphore, #tpu.memory_space<semaphore_mem>>
      %dma_start3A_168 = arith.constant 0 : i32
      %dma_start3A_169 = tpu.memref_slice %arg5[%mul3A_4, %dma_start3A_168] : memref<128x128xi32, #tpu.memory_space<hbm>> -> memref<4x128xi32, #tpu.memory_space<hbm>>
      %dma_start3A_170 = arith.constant 0 : i32
      %dma_start3A_171 = tpu.memref_slice %arg5[%mul3A_4, %dma_start3A_170] : memref<128x128xi32, #tpu.memory_space<hbm>> -> memref<4x128xi32, #tpu.memory_space<hbm>>
      tpu.enqueue_dma source(%dma_start3A_171 : memref<4x128xi32, #tpu.memory_space<hbm>>) target(%arg8 : memref<4x128xi32, #tpu.memory_space<vmem>>) target_semaphore(%run_scoped3A : memref<!tpu.dma_semaphore, #tpu.memory_space<semaphore_mem>>)
      %dma_wait3A_172 = arith.constant 0 : i32
      %dma_wait3A_173 = tpu.memref_slice %arg5[%mul3A_4, %dma_wait3A_172] : memref<128x128xi32, #tpu.memory_space<hbm>> -> memref<4x128xi32, #tpu.memory_space<hbm>>
      %dma_wait3A_174 = arith.constant 0 : i32
      %dma_wait3A_175 = tpu.memref_slice %arg5[%mul3A_4, %dma_wait3A_174] : memref<128x128xi32, #tpu.memory_space<hbm>> -> memref<4x128xi32, #tpu.memory_space<hbm>>
      tpu.wait_dma2 semaphore(%run_scoped3A : memref<!tpu.dma_semaphore, #tpu.memory_space<semaphore_mem>>) src(%dma_wait3A_175 : memref<4x128xi32, #tpu.memory_space<hbm>>) dst(%arg8 : memref<4x128xi32, #tpu.memory_space<vmem>>)
      tpu.yield
    }) : () -> ()
    %dma_start3A = arith.constant 0 : i32
    %dma_start3A_5 = arith.constant 0 : i32
    %dma_start3A_6 = arith.constant 0 : i32
    %dma_start3A_7 = tpu.memref_slice %arg9[%dma_start3A_5, %dma_start3A_6] : memref<512x32xf32, #tpu.memory_space<vmem>> -> memref<128x32xf32, #tpu.memory_space<vmem>>
    %dma_start3A_8 = arith.constant 0 : i32
    %dma_start3A_9 = tpu.memref_slice %arg7[%dma_start3A, %dma_start3A_8] : memref<4x128xi32, #tpu.memory_space<vmem>> -> memref<1x128xi32, #tpu.memory_space<vmem>>
    %dma_start3A_10 = tpu.memref_squeeze %dma_start3A_9 : memref<1x128xi32, #tpu.memory_space<vmem>> -> memref<128xi32, #tpu.memory_space<vmem>>
    %dma_start3A_11 = arith.constant 0 : i32
    %dma_start3A_12 = arith.constant 0 : i32
    %dma_start3A_13 = tpu.memref_slice %arg2[%dma_start3A_11, %dma_start3A_12] : memref<1000000x32xf32, #tpu.memory_space<hbm>> -> memref<1000000x32xf32, #tpu.memory_space<hbm>>
    tpu.enqueue_indirect_dma source(%dma_start3A_13 : memref<1000000x32xf32, #tpu.memory_space<hbm>>) target(%dma_start3A_7 : memref<128x32xf32, #tpu.memory_space<vmem>>) offsets(%dma_start3A_10 : memref<128xi32, #tpu.memory_space<vmem>>) semaphore(%arg12 : memref<!tpu.dma_semaphore, #tpu.memory_space<semaphore_mem>>)
    %dma_start3A_14 = arith.constant 0 : i32
    %dma_start3A_15 = arith.constant 0 : i32
    %dma_start3A_16 = arith.constant 0 : i32
    %dma_start3A_17 = tpu.memref_slice %arg10[%dma_start3A_15, %dma_start3A_16] : memref<512x32xf32, #tpu.memory_space<vmem>> -> memref<128x32xf32, #tpu.memory_space<vmem>>
    %dma_start3A_18 = arith.constant 0 : i32
    %dma_start3A_19 = tpu.memref_slice %arg8[%dma_start3A_14, %dma_start3A_18] : memref<4x128xi32, #tpu.memory_space<vmem>> -> memref<1x128xi32, #tpu.memory_space<vmem>>
    %dma_start3A_20 = tpu.memref_squeeze %dma_start3A_19 : memref<1x128xi32, #tpu.memory_space<vmem>> -> memref<128xi32, #tpu.memory_space<vmem>>
    %dma_start3A_21 = arith.constant 0 : i32
    %dma_start3A_22 = arith.constant 0 : i32
    %dma_start3A_23 = tpu.memref_slice %arg3[%dma_start3A_21, %dma_start3A_22] : memref<1000000x32xf32, #tpu.memory_space<hbm>> -> memref<1000000x32xf32, #tpu.memory_space<hbm>>
    tpu.enqueue_indirect_dma source(%dma_start3A_23 : memref<1000000x32xf32, #tpu.memory_space<hbm>>) target(%dma_start3A_17 : memref<128x32xf32, #tpu.memory_space<vmem>>) offsets(%dma_start3A_20 : memref<128xi32, #tpu.memory_space<vmem>>) semaphore(%arg12 : memref<!tpu.dma_semaphore, #tpu.memory_space<semaphore_mem>>)
    %dma_start3A_24 = arith.constant 1 : i32
    %dma_start3A_25 = arith.constant 128 : i32
    %dma_start3A_26 = arith.constant 0 : i32
    %dma_start3A_27 = tpu.memref_slice %arg9[%dma_start3A_25, %dma_start3A_26] : memref<512x32xf32, #tpu.memory_space<vmem>> -> memref<128x32xf32, #tpu.memory_space<vmem>>
    %dma_start3A_28 = arith.constant 0 : i32
    %dma_start3A_29 = tpu.memref_slice %arg7[%dma_start3A_24, %dma_start3A_28] : memref<4x128xi32, #tpu.memory_space<vmem>> -> memref<1x128xi32, #tpu.memory_space<vmem>>
    %dma_start3A_30 = tpu.memref_squeeze %dma_start3A_29 : memref<1x128xi32, #tpu.memory_space<vmem>> -> memref<128xi32, #tpu.memory_space<vmem>>
    %dma_start3A_31 = arith.constant 0 : i32
    %dma_start3A_32 = arith.constant 0 : i32
    %dma_start3A_33 = tpu.memref_slice %arg2[%dma_start3A_31, %dma_start3A_32] : memref<1000000x32xf32, #tpu.memory_space<hbm>> -> memref<1000000x32xf32, #tpu.memory_space<hbm>>
    tpu.enqueue_indirect_dma source(%dma_start3A_33 : memref<1000000x32xf32, #tpu.memory_space<hbm>>) target(%dma_start3A_27 : memref<128x32xf32, #tpu.memory_space<vmem>>) offsets(%dma_start3A_30 : memref<128xi32, #tpu.memory_space<vmem>>) semaphore(%arg12 : memref<!tpu.dma_semaphore, #tpu.memory_space<semaphore_mem>>)
    %dma_start3A_34 = arith.constant 1 : i32
    %dma_start3A_35 = arith.constant 128 : i32
    %dma_start3A_36 = arith.constant 0 : i32
    %dma_start3A_37 = tpu.memref_slice %arg10[%dma_start3A_35, %dma_start3A_36] : memref<512x32xf32, #tpu.memory_space<vmem>> -> memref<128x32xf32, #tpu.memory_space<vmem>>
    %dma_start3A_38 = arith.constant 0 : i32
    %dma_start3A_39 = tpu.memref_slice %arg8[%dma_start3A_34, %dma_start3A_38] : memref<4x128xi32, #tpu.memory_space<vmem>> -> memref<1x128xi32, #tpu.memory_space<vmem>>
    %dma_start3A_40 = tpu.memref_squeeze %dma_start3A_39 : memref<1x128xi32, #tpu.memory_space<vmem>> -> memref<128xi32, #tpu.memory_space<vmem>>
    %dma_start3A_41 = arith.constant 0 : i32
    %dma_start3A_42 = arith.constant 0 : i32
    %dma_start3A_43 = tpu.memref_slice %arg3[%dma_start3A_41, %dma_start3A_42] : memref<1000000x32xf32, #tpu.memory_space<hbm>> -> memref<1000000x32xf32, #tpu.memory_space<hbm>>
    tpu.enqueue_indirect_dma source(%dma_start3A_43 : memref<1000000x32xf32, #tpu.memory_space<hbm>>) target(%dma_start3A_37 : memref<128x32xf32, #tpu.memory_space<vmem>>) offsets(%dma_start3A_40 : memref<128xi32, #tpu.memory_space<vmem>>) semaphore(%arg12 : memref<!tpu.dma_semaphore, #tpu.memory_space<semaphore_mem>>)
    %dma_start3A_44 = arith.constant 2 : i32
    %dma_start3A_45 = arith.constant 256 : i32
    %dma_start3A_46 = arith.constant 0 : i32
    %dma_start3A_47 = tpu.memref_slice %arg9[%dma_start3A_45, %dma_start3A_46] : memref<512x32xf32, #tpu.memory_space<vmem>> -> memref<128x32xf32, #tpu.memory_space<vmem>>
    %dma_start3A_48 = arith.constant 0 : i32
    %dma_start3A_49 = tpu.memref_slice %arg7[%dma_start3A_44, %dma_start3A_48] : memref<4x128xi32, #tpu.memory_space<vmem>> -> memref<1x128xi32, #tpu.memory_space<vmem>>
    %dma_start3A_50 = tpu.memref_squeeze %dma_start3A_49 : memref<1x128xi32, #tpu.memory_space<vmem>> -> memref<128xi32, #tpu.memory_space<vmem>>
    %dma_start3A_51 = arith.constant 0 : i32
    %dma_start3A_52 = arith.constant 0 : i32
    %dma_start3A_53 = tpu.memref_slice %arg2[%dma_start3A_51, %dma_start3A_52] : memref<1000000x32xf32, #tpu.memory_space<hbm>> -> memref<1000000x32xf32, #tpu.memory_space<hbm>>
    tpu.enqueue_indirect_dma source(%dma_start3A_53 : memref<1000000x32xf32, #tpu.memory_space<hbm>>) target(%dma_start3A_47 : memref<128x32xf32, #tpu.memory_space<vmem>>) offsets(%dma_start3A_50 : memref<128xi32, #tpu.memory_space<vmem>>) semaphore(%arg12 : memref<!tpu.dma_semaphore, #tpu.memory_space<semaphore_mem>>)
    %dma_start3A_54 = arith.constant 2 : i32
    %dma_start3A_55 = arith.constant 256 : i32
    %dma_start3A_56 = arith.constant 0 : i32
    %dma_start3A_57 = tpu.memref_slice %arg10[%dma_start3A_55, %dma_start3A_56] : memref<512x32xf32, #tpu.memory_space<vmem>> -> memref<128x32xf32, #tpu.memory_space<vmem>>
    %dma_start3A_58 = arith.constant 0 : i32
    %dma_start3A_59 = tpu.memref_slice %arg8[%dma_start3A_54, %dma_start3A_58] : memref<4x128xi32, #tpu.memory_space<vmem>> -> memref<1x128xi32, #tpu.memory_space<vmem>>
    %dma_start3A_60 = tpu.memref_squeeze %dma_start3A_59 : memref<1x128xi32, #tpu.memory_space<vmem>> -> memref<128xi32, #tpu.memory_space<vmem>>
    %dma_start3A_61 = arith.constant 0 : i32
    %dma_start3A_62 = arith.constant 0 : i32
    %dma_start3A_63 = tpu.memref_slice %arg3[%dma_start3A_61, %dma_start3A_62] : memref<1000000x32xf32, #tpu.memory_space<hbm>> -> memref<1000000x32xf32, #tpu.memory_space<hbm>>
    tpu.enqueue_indirect_dma source(%dma_start3A_63 : memref<1000000x32xf32, #tpu.memory_space<hbm>>) target(%dma_start3A_57 : memref<128x32xf32, #tpu.memory_space<vmem>>) offsets(%dma_start3A_60 : memref<128xi32, #tpu.memory_space<vmem>>) semaphore(%arg12 : memref<!tpu.dma_semaphore, #tpu.memory_space<semaphore_mem>>)
    %dma_start3A_64 = arith.constant 3 : i32
    %dma_start3A_65 = arith.constant 384 : i32
    %dma_start3A_66 = arith.constant 0 : i32
    %dma_start3A_67 = tpu.memref_slice %arg9[%dma_start3A_65, %dma_start3A_66] : memref<512x32xf32, #tpu.memory_space<vmem>> -> memref<128x32xf32, #tpu.memory_space<vmem>>
    %dma_start3A_68 = arith.constant 0 : i32
    %dma_start3A_69 = tpu.memref_slice %arg7[%dma_start3A_64, %dma_start3A_68] : memref<4x128xi32, #tpu.memory_space<vmem>> -> memref<1x128xi32, #tpu.memory_space<vmem>>
    %dma_start3A_70 = tpu.memref_squeeze %dma_start3A_69 : memref<1x128xi32, #tpu.memory_space<vmem>> -> memref<128xi32, #tpu.memory_space<vmem>>
    %dma_start3A_71 = arith.constant 0 : i32
    %dma_start3A_72 = arith.constant 0 : i32
    %dma_start3A_73 = tpu.memref_slice %arg2[%dma_start3A_71, %dma_start3A_72] : memref<1000000x32xf32, #tpu.memory_space<hbm>> -> memref<1000000x32xf32, #tpu.memory_space<hbm>>
    tpu.enqueue_indirect_dma source(%dma_start3A_73 : memref<1000000x32xf32, #tpu.memory_space<hbm>>) target(%dma_start3A_67 : memref<128x32xf32, #tpu.memory_space<vmem>>) offsets(%dma_start3A_70 : memref<128xi32, #tpu.memory_space<vmem>>) semaphore(%arg12 : memref<!tpu.dma_semaphore, #tpu.memory_space<semaphore_mem>>)
    %dma_start3A_74 = arith.constant 3 : i32
    %dma_start3A_75 = arith.constant 384 : i32
    %dma_start3A_76 = arith.constant 0 : i32
    %dma_start3A_77 = tpu.memref_slice %arg10[%dma_start3A_75, %dma_start3A_76] : memref<512x32xf32, #tpu.memory_space<vmem>> -> memref<128x32xf32, #tpu.memory_space<vmem>>
    %dma_start3A_78 = arith.constant 0 : i32
    %dma_start3A_79 = tpu.memref_slice %arg8[%dma_start3A_74, %dma_start3A_78] : memref<4x128xi32, #tpu.memory_space<vmem>> -> memref<1x128xi32, #tpu.memory_space<vmem>>
    %dma_start3A_80 = tpu.memref_squeeze %dma_start3A_79 : memref<1x128xi32, #tpu.memory_space<vmem>> -> memref<128xi32, #tpu.memory_space<vmem>>
    %dma_start3A_81 = arith.constant 0 : i32
    %dma_start3A_82 = arith.constant 0 : i32
    %dma_start3A_83 = tpu.memref_slice %arg3[%dma_start3A_81, %dma_start3A_82] : memref<1000000x32xf32, #tpu.memory_space<hbm>> -> memref<1000000x32xf32, #tpu.memory_space<hbm>>
    tpu.enqueue_indirect_dma source(%dma_start3A_83 : memref<1000000x32xf32, #tpu.memory_space<hbm>>) target(%dma_start3A_77 : memref<128x32xf32, #tpu.memory_space<vmem>>) offsets(%dma_start3A_80 : memref<128xi32, #tpu.memory_space<vmem>>) semaphore(%arg12 : memref<!tpu.dma_semaphore, #tpu.memory_space<semaphore_mem>>)
    %dma_wait3A = arith.constant 0 : i32
    %dma_wait3A_84 = arith.constant 0 : i32
    %dma_wait3A_85 = arith.constant 0 : i32
    %dma_wait3A_86 = tpu.memref_slice %arg9[%dma_wait3A_84, %dma_wait3A_85] : memref<512x32xf32, #tpu.memory_space<vmem>> -> memref<128x32xf32, #tpu.memory_space<vmem>>
    %dma_wait3A_87 = arith.constant 0 : i32
    %dma_wait3A_88 = tpu.memref_slice %arg7[%dma_wait3A, %dma_wait3A_87] : memref<4x128xi32, #tpu.memory_space<vmem>> -> memref<1x128xi32, #tpu.memory_space<vmem>>
    %dma_wait3A_89 = tpu.memref_squeeze %dma_wait3A_88 : memref<1x128xi32, #tpu.memory_space<vmem>> -> memref<128xi32, #tpu.memory_space<vmem>>
    %dma_wait3A_90 = arith.constant 0 : i32
    %dma_wait3A_91 = arith.constant 0 : i32
    %dma_wait3A_92 = tpu.memref_slice %arg2[%dma_wait3A_90, %dma_wait3A_91] : memref<1000000x32xf32, #tpu.memory_space<hbm>> -> memref<1000000x32xf32, #tpu.memory_space<hbm>>
    tpu.wait_indirect_dma semaphore(%arg12 : memref<!tpu.dma_semaphore, #tpu.memory_space<semaphore_mem>>) src(%dma_wait3A_92 : memref<1000000x32xf32, #tpu.memory_space<hbm>>) dst(%dma_wait3A_86 : memref<128x32xf32, #tpu.memory_space<vmem>>)
    %dma_wait3A_93 = arith.constant 0 : i32
    %dma_wait3A_94 = arith.constant 0 : i32
    %dma_wait3A_95 = arith.constant 0 : i32
    %dma_wait3A_96 = tpu.memref_slice %arg10[%dma_wait3A_94, %dma_wait3A_95] : memref<512x32xf32, #tpu.memory_space<vmem>> -> memref<128x32xf32, #tpu.memory_space<vmem>>
    %dma_wait3A_97 = arith.constant 0 : i32
    %dma_wait3A_98 = tpu.memref_slice %arg8[%dma_wait3A_93, %dma_wait3A_97] : memref<4x128xi32, #tpu.memory_space<vmem>> -> memref<1x128xi32, #tpu.memory_space<vmem>>
    %dma_wait3A_99 = tpu.memref_squeeze %dma_wait3A_98 : memref<1x128xi32, #tpu.memory_space<vmem>> -> memref<128xi32, #tpu.memory_space<vmem>>
    %dma_wait3A_100 = arith.constant 0 : i32
    %dma_wait3A_101 = arith.constant 0 : i32
    %dma_wait3A_102 = tpu.memref_slice %arg3[%dma_wait3A_100, %dma_wait3A_101] : memref<1000000x32xf32, #tpu.memory_space<hbm>> -> memref<1000000x32xf32, #tpu.memory_space<hbm>>
    tpu.wait_indirect_dma semaphore(%arg12 : memref<!tpu.dma_semaphore, #tpu.memory_space<semaphore_mem>>) src(%dma_wait3A_102 : memref<1000000x32xf32, #tpu.memory_space<hbm>>) dst(%dma_wait3A_96 : memref<128x32xf32, #tpu.memory_space<vmem>>)
    %dma_wait3A_103 = arith.constant 1 : i32
    %dma_wait3A_104 = arith.constant 128 : i32
    %dma_wait3A_105 = arith.constant 0 : i32
    %dma_wait3A_106 = tpu.memref_slice %arg9[%dma_wait3A_104, %dma_wait3A_105] : memref<512x32xf32, #tpu.memory_space<vmem>> -> memref<128x32xf32, #tpu.memory_space<vmem>>
    %dma_wait3A_107 = arith.constant 0 : i32
    %dma_wait3A_108 = tpu.memref_slice %arg7[%dma_wait3A_103, %dma_wait3A_107] : memref<4x128xi32, #tpu.memory_space<vmem>> -> memref<1x128xi32, #tpu.memory_space<vmem>>
    %dma_wait3A_109 = tpu.memref_squeeze %dma_wait3A_108 : memref<1x128xi32, #tpu.memory_space<vmem>> -> memref<128xi32, #tpu.memory_space<vmem>>
    %dma_wait3A_110 = arith.constant 0 : i32
    %dma_wait3A_111 = arith.constant 0 : i32
    %dma_wait3A_112 = tpu.memref_slice %arg2[%dma_wait3A_110, %dma_wait3A_111] : memref<1000000x32xf32, #tpu.memory_space<hbm>> -> memref<1000000x32xf32, #tpu.memory_space<hbm>>
    tpu.wait_indirect_dma semaphore(%arg12 : memref<!tpu.dma_semaphore, #tpu.memory_space<semaphore_mem>>) src(%dma_wait3A_112 : memref<1000000x32xf32, #tpu.memory_space<hbm>>) dst(%dma_wait3A_106 : memref<128x32xf32, #tpu.memory_space<vmem>>)
    %dma_wait3A_113 = arith.constant 1 : i32
    %dma_wait3A_114 = arith.constant 128 : i32
    %dma_wait3A_115 = arith.constant 0 : i32
    %dma_wait3A_116 = tpu.memref_slice %arg10[%dma_wait3A_114, %dma_wait3A_115] : memref<512x32xf32, #tpu.memory_space<vmem>> -> memref<128x32xf32, #tpu.memory_space<vmem>>
    %dma_wait3A_117 = arith.constant 0 : i32
    %dma_wait3A_118 = tpu.memref_slice %arg8[%dma_wait3A_113, %dma_wait3A_117] : memref<4x128xi32, #tpu.memory_space<vmem>> -> memref<1x128xi32, #tpu.memory_space<vmem>>
    %dma_wait3A_119 = tpu.memref_squeeze %dma_wait3A_118 : memref<1x128xi32, #tpu.memory_space<vmem>> -> memref<128xi32, #tpu.memory_space<vmem>>
    %dma_wait3A_120 = arith.constant 0 : i32
    %dma_wait3A_121 = arith.constant 0 : i32
    %dma_wait3A_122 = tpu.memref_slice %arg3[%dma_wait3A_120, %dma_wait3A_121] : memref<1000000x32xf32, #tpu.memory_space<hbm>> -> memref<1000000x32xf32, #tpu.memory_space<hbm>>
    tpu.wait_indirect_dma semaphore(%arg12 : memref<!tpu.dma_semaphore, #tpu.memory_space<semaphore_mem>>) src(%dma_wait3A_122 : memref<1000000x32xf32, #tpu.memory_space<hbm>>) dst(%dma_wait3A_116 : memref<128x32xf32, #tpu.memory_space<vmem>>)
    %dma_wait3A_123 = arith.constant 2 : i32
    %dma_wait3A_124 = arith.constant 256 : i32
    %dma_wait3A_125 = arith.constant 0 : i32
    %dma_wait3A_126 = tpu.memref_slice %arg9[%dma_wait3A_124, %dma_wait3A_125] : memref<512x32xf32, #tpu.memory_space<vmem>> -> memref<128x32xf32, #tpu.memory_space<vmem>>
    %dma_wait3A_127 = arith.constant 0 : i32
    %dma_wait3A_128 = tpu.memref_slice %arg7[%dma_wait3A_123, %dma_wait3A_127] : memref<4x128xi32, #tpu.memory_space<vmem>> -> memref<1x128xi32, #tpu.memory_space<vmem>>
    %dma_wait3A_129 = tpu.memref_squeeze %dma_wait3A_128 : memref<1x128xi32, #tpu.memory_space<vmem>> -> memref<128xi32, #tpu.memory_space<vmem>>
    %dma_wait3A_130 = arith.constant 0 : i32
    %dma_wait3A_131 = arith.constant 0 : i32
    %dma_wait3A_132 = tpu.memref_slice %arg2[%dma_wait3A_130, %dma_wait3A_131] : memref<1000000x32xf32, #tpu.memory_space<hbm>> -> memref<1000000x32xf32, #tpu.memory_space<hbm>>
    tpu.wait_indirect_dma semaphore(%arg12 : memref<!tpu.dma_semaphore, #tpu.memory_space<semaphore_mem>>) src(%dma_wait3A_132 : memref<1000000x32xf32, #tpu.memory_space<hbm>>) dst(%dma_wait3A_126 : memref<128x32xf32, #tpu.memory_space<vmem>>)
    %dma_wait3A_133 = arith.constant 2 : i32
    %dma_wait3A_134 = arith.constant 256 : i32
    %dma_wait3A_135 = arith.constant 0 : i32
    %dma_wait3A_136 = tpu.memref_slice %arg10[%dma_wait3A_134, %dma_wait3A_135] : memref<512x32xf32, #tpu.memory_space<vmem>> -> memref<128x32xf32, #tpu.memory_space<vmem>>
    %dma_wait3A_137 = arith.constant 0 : i32
    %dma_wait3A_138 = tpu.memref_slice %arg8[%dma_wait3A_133, %dma_wait3A_137] : memref<4x128xi32, #tpu.memory_space<vmem>> -> memref<1x128xi32, #tpu.memory_space<vmem>>
    %dma_wait3A_139 = tpu.memref_squeeze %dma_wait3A_138 : memref<1x128xi32, #tpu.memory_space<vmem>> -> memref<128xi32, #tpu.memory_space<vmem>>
    %dma_wait3A_140 = arith.constant 0 : i32
    %dma_wait3A_141 = arith.constant 0 : i32
    %dma_wait3A_142 = tpu.memref_slice %arg3[%dma_wait3A_140, %dma_wait3A_141] : memref<1000000x32xf32, #tpu.memory_space<hbm>> -> memref<1000000x32xf32, #tpu.memory_space<hbm>>
    tpu.wait_indirect_dma semaphore(%arg12 : memref<!tpu.dma_semaphore, #tpu.memory_space<semaphore_mem>>) src(%dma_wait3A_142 : memref<1000000x32xf32, #tpu.memory_space<hbm>>) dst(%dma_wait3A_136 : memref<128x32xf32, #tpu.memory_space<vmem>>)
    %dma_wait3A_143 = arith.constant 3 : i32
    %dma_wait3A_144 = arith.constant 384 : i32
    %dma_wait3A_145 = arith.constant 0 : i32
    %dma_wait3A_146 = tpu.memref_slice %arg9[%dma_wait3A_144, %dma_wait3A_145] : memref<512x32xf32, #tpu.memory_space<vmem>> -> memref<128x32xf32, #tpu.memory_space<vmem>>
    %dma_wait3A_147 = arith.constant 0 : i32
    %dma_wait3A_148 = tpu.memref_slice %arg7[%dma_wait3A_143, %dma_wait3A_147] : memref<4x128xi32, #tpu.memory_space<vmem>> -> memref<1x128xi32, #tpu.memory_space<vmem>>
    %dma_wait3A_149 = tpu.memref_squeeze %dma_wait3A_148 : memref<1x128xi32, #tpu.memory_space<vmem>> -> memref<128xi32, #tpu.memory_space<vmem>>
    %dma_wait3A_150 = arith.constant 0 : i32
    %dma_wait3A_151 = arith.constant 0 : i32
    %dma_wait3A_152 = tpu.memref_slice %arg2[%dma_wait3A_150, %dma_wait3A_151] : memref<1000000x32xf32, #tpu.memory_space<hbm>> -> memref<1000000x32xf32, #tpu.memory_space<hbm>>
    tpu.wait_indirect_dma semaphore(%arg12 : memref<!tpu.dma_semaphore, #tpu.memory_space<semaphore_mem>>) src(%dma_wait3A_152 : memref<1000000x32xf32, #tpu.memory_space<hbm>>) dst(%dma_wait3A_146 : memref<128x32xf32, #tpu.memory_space<vmem>>)
    %dma_wait3A_153 = arith.constant 3 : i32
    %dma_wait3A_154 = arith.constant 384 : i32
    %dma_wait3A_155 = arith.constant 0 : i32
    %dma_wait3A_156 = tpu.memref_slice %arg10[%dma_wait3A_154, %dma_wait3A_155] : memref<512x32xf32, #tpu.memory_space<vmem>> -> memref<128x32xf32, #tpu.memory_space<vmem>>
    %dma_wait3A_157 = arith.constant 0 : i32
    %dma_wait3A_158 = tpu.memref_slice %arg8[%dma_wait3A_153, %dma_wait3A_157] : memref<4x128xi32, #tpu.memory_space<vmem>> -> memref<1x128xi32, #tpu.memory_space<vmem>>
    %dma_wait3A_159 = tpu.memref_squeeze %dma_wait3A_158 : memref<1x128xi32, #tpu.memory_space<vmem>> -> memref<128xi32, #tpu.memory_space<vmem>>
    %dma_wait3A_160 = arith.constant 0 : i32
    %dma_wait3A_161 = arith.constant 0 : i32
    %dma_wait3A_162 = tpu.memref_slice %arg3[%dma_wait3A_160, %dma_wait3A_161] : memref<1000000x32xf32, #tpu.memory_space<hbm>> -> memref<1000000x32xf32, #tpu.memory_space<hbm>>
    tpu.wait_indirect_dma semaphore(%arg12 : memref<!tpu.dma_semaphore, #tpu.memory_space<semaphore_mem>>) src(%dma_wait3A_162 : memref<1000000x32xf32, #tpu.memory_space<hbm>>) dst(%dma_wait3A_156 : memref<128x32xf32, #tpu.memory_space<vmem>>)
    %iota3A = tpu.iota {dimensions = array<i32: 0>} : vector<16xi32>
    %scan3A = arith.constant 0 : i32
    %scan3A_163 = arith.constant 0 : i32
    %scan3A_164 = arith.constant 32 : i32
    %scan3A_165 = arith.addi %scan3A_163, %scan3A_164 : i32
    %scan3A_166 = arith.constant 1 : i32
    scf.for %scan3A_168 = %scan3A_163 to %scan3A_165 step %scan3A_166  : i32 {
      %mul3A_169 = arith.constant 16 : i32
      %mul3A_170 = arith.muli %scan3A_168, %mul3A_169 : i32
      %add3A_171 = vector.broadcast %mul3A_170 : i32 to vector<16xi32>
      %add3A_172 = arith.addi %add3A_171, %iota3A : vector<16xi32>
      %broadcast_in_dim3A = arith.constant 0.000000e+00 : f32
      %broadcast_in_dim3A_173 = vector.broadcast %broadcast_in_dim3A : f32 to vector<16xf32>
      %broadcast_in_dim3A_174 = arith.constant 0 : i32
      %broadcast_in_dim3A_175 = vector.broadcast %broadcast_in_dim3A_174 : i32 to vector<16xi32>
      %gather3A = tpu.vector_load_idx %arg9[%add3A_172, %broadcast_in_dim3A_175] : memref<512x32xf32, #tpu.memory_space<vmem>>[vector<16xi32>, vector<16xi32>], vector<16xf32>,
      %gather3A_176 = tpu.vector_load_idx %arg10[%add3A_172, %broadcast_in_dim3A_175] : memref<512x32xf32, #tpu.memory_space<vmem>>[vector<16xi32>, vector<16xi32>], vector<16xf32>,
      %mul3A_177 = arith.mulf %gather3A, %gather3A_176 : vector<16xf32>
      %add3A_178 = arith.addf %broadcast_in_dim3A_173, %mul3A_177 : vector<16xf32>
      %broadcast_in_dim3A_179 = arith.constant 1 : i32
      %broadcast_in_dim3A_180 = vector.broadcast %broadcast_in_dim3A_179 : i32 to vector<16xi32>
      %gather3A_181 = tpu.vector_load_idx %arg9[%add3A_172, %broadcast_in_dim3A_180] : memref<512x32xf32, #tpu.memory_space<vmem>>[vector<16xi32>, vector<16xi32>], vector<16xf32>,
      %gather3A_182 = tpu.vector_load_idx %arg10[%add3A_172, %broadcast_in_dim3A_180] : memref<512x32xf32, #tpu.memory_space<vmem>>[vector<16xi32>, vector<16xi32>], vector<16xf32>,
      %mul3A_183 = arith.mulf %gather3A_181, %gather3A_182 : vector<16xf32>
      %add3A_184 = arith.addf %add3A_178, %mul3A_183 : vector<16xf32>
      %broadcast_in_dim3A_185 = arith.constant 2 : i32
      %broadcast_in_dim3A_186 = vector.broadcast %broadcast_in_dim3A_185 : i32 to vector<16xi32>
      %gather3A_187 = tpu.vector_load_idx %arg9[%add3A_172, %broadcast_in_dim3A_186] : memref<512x32xf32, #tpu.memory_space<vmem>>[vector<16xi32>, vector<16xi32>], vector<16xf32>,
      %gather3A_188 = tpu.vector_load_idx %arg10[%add3A_172, %broadcast_in_dim3A_186] : memref<512x32xf32, #tpu.memory_space<vmem>>[vector<16xi32>, vector<16xi32>], vector<16xf32>,
      %mul3A_189 = arith.mulf %gather3A_187, %gather3A_188 : vector<16xf32>
      %add3A_190 = arith.addf %add3A_184, %mul3A_189 : vector<16xf32>
      %broadcast_in_dim3A_191 = arith.constant 3 : i32
      %broadcast_in_dim3A_192 = vector.broadcast %broadcast_in_dim3A_191 : i32 to vector<16xi32>
      %gather3A_193 = tpu.vector_load_idx %arg9[%add3A_172, %broadcast_in_dim3A_192] : memref<512x32xf32, #tpu.memory_space<vmem>>[vector<16xi32>, vector<16xi32>], vector<16xf32>,
      %gather3A_194 = tpu.vector_load_idx %arg10[%add3A_172, %broadcast_in_dim3A_192] : memref<512x32xf32, #tpu.memory_space<vmem>>[vector<16xi32>, vector<16xi32>], vector<16xf32>,
      %mul3A_195 = arith.mulf %gather3A_193, %gather3A_194 : vector<16xf32>
      %add3A_196 = arith.addf %add3A_190, %mul3A_195 : vector<16xf32>
      %broadcast_in_dim3A_197 = arith.constant 4 : i32
      %broadcast_in_dim3A_198 = vector.broadcast %broadcast_in_dim3A_197 : i32 to vector<16xi32>
      %gather3A_199 = tpu.vector_load_idx %arg9[%add3A_172, %broadcast_in_dim3A_198] : memref<512x32xf32, #tpu.memory_space<vmem>>[vector<16xi32>, vector<16xi32>], vector<16xf32>,
      %gather3A_200 = tpu.vector_load_idx %arg10[%add3A_172, %broadcast_in_dim3A_198] : memref<512x32xf32, #tpu.memory_space<vmem>>[vector<16xi32>, vector<16xi32>], vector<16xf32>,
      %mul3A_201 = arith.mulf %gather3A_199, %gather3A_200 : vector<16xf32>
      %add3A_202 = arith.addf %add3A_196, %mul3A_201 : vector<16xf32>
      %broadcast_in_dim3A_203 = arith.constant 5 : i32
      %broadcast_in_dim3A_204 = vector.broadcast %broadcast_in_dim3A_203 : i32 to vector<16xi32>
      %gather3A_205 = tpu.vector_load_idx %arg9[%add3A_172, %broadcast_in_dim3A_204] : memref<512x32xf32, #tpu.memory_space<vmem>>[vector<16xi32>, vector<16xi32>], vector<16xf32>,
      %gather3A_206 = tpu.vector_load_idx %arg10[%add3A_172, %broadcast_in_dim3A_204] : memref<512x32xf32, #tpu.memory_space<vmem>>[vector<16xi32>, vector<16xi32>], vector<16xf32>,
      %mul3A_207 = arith.mulf %gather3A_205, %gather3A_206 : vector<16xf32>
      %add3A_208 = arith.addf %add3A_202, %mul3A_207 : vector<16xf32>
      %broadcast_in_dim3A_209 = arith.constant 6 : i32
      %broadcast_in_dim3A_210 = vector.broadcast %broadcast_in_dim3A_209 : i32 to vector<16xi32>
      %gather3A_211 = tpu.vector_load_idx %arg9[%add3A_172, %broadcast_in_dim3A_210] : memref<512x32xf32, #tpu.memory_space<vmem>>[vector<16xi32>, vector<16xi32>], vector<16xf32>,
      %gather3A_212 = tpu.vector_load_idx %arg10[%add3A_172, %broadcast_in_dim3A_210] : memref<512x32xf32, #tpu.memory_space<vmem>>[vector<16xi32>, vector<16xi32>], vector<16xf32>,
      %mul3A_213 = arith.mulf %gather3A_211, %gather3A_212 : vector<16xf32>
      %add3A_214 = arith.addf %add3A_208, %mul3A_213 : vector<16xf32>
      %broadcast_in_dim3A_215 = arith.constant 7 : i32
      %broadcast_in_dim3A_216 = vector.broadcast %broadcast_in_dim3A_215 : i32 to vector<16xi32>
      %gather3A_217 = tpu.vector_load_idx %arg9[%add3A_172, %broadcast_in_dim3A_216] : memref<512x32xf32, #tpu.memory_space<vmem>>[vector<16xi32>, vector<16xi32>], vector<16xf32>,
      %gather3A_218 = tpu.vector_load_idx %arg10[%add3A_172, %broadcast_in_dim3A_216] : memref<512x32xf32, #tpu.memory_space<vmem>>[vector<16xi32>, vector<16xi32>], vector<16xf32>,
      %mul3A_219 = arith.mulf %gather3A_217, %gather3A_218 : vector<16xf32>
      %add3A_220 = arith.addf %add3A_214, %mul3A_219 : vector<16xf32>
      %broadcast_in_dim3A_221 = arith.constant 8 : i32
      %broadcast_in_dim3A_222 = vector.broadcast %broadcast_in_dim3A_221 : i32 to vector<16xi32>
      %gather3A_223 = tpu.vector_load_idx %arg9[%add3A_172, %broadcast_in_dim3A_222] : memref<512x32xf32, #tpu.memory_space<vmem>>[vector<16xi32>, vector<16xi32>], vector<16xf32>,
      %gather3A_224 = tpu.vector_load_idx %arg10[%add3A_172, %broadcast_in_dim3A_222] : memref<512x32xf32, #tpu.memory_space<vmem>>[vector<16xi32>, vector<16xi32>], vector<16xf32>,
      %mul3A_225 = arith.mulf %gather3A_223, %gather3A_224 : vector<16xf32>
      %add3A_226 = arith.addf %add3A_220, %mul3A_225 : vector<16xf32>
      %broadcast_in_dim3A_227 = arith.constant 9 : i32
      %broadcast_in_dim3A_228 = vector.broadcast %broadcast_in_dim3A_227 : i32 to vector<16xi32>
      %gather3A_229 = tpu.vector_load_idx %arg9[%add3A_172, %broadcast_in_dim3A_228] : memref<512x32xf32, #tpu.memory_space<vmem>>[vector<16xi32>, vector<16xi32>], vector<16xf32>,
      %gather3A_230 = tpu.vector_load_idx %arg10[%add3A_172, %broadcast_in_dim3A_228] : memref<512x32xf32, #tpu.memory_space<vmem>>[vector<16xi32>, vector<16xi32>], vector<16xf32>,
      %mul3A_231 = arith.mulf %gather3A_229, %gather3A_230 : vector<16xf32>
      %add3A_232 = arith.addf %add3A_226, %mul3A_231 : vector<16xf32>
      %broadcast_in_dim3A_233 = arith.constant 10 : i32
      %broadcast_in_dim3A_234 = vector.broadcast %broadcast_in_dim3A_233 : i32 to vector<16xi32>
      %gather3A_235 = tpu.vector_load_idx %arg9[%add3A_172, %broadcast_in_dim3A_234] : memref<512x32xf32, #tpu.memory_space<vmem>>[vector<16xi32>, vector<16xi32>], vector<16xf32>,
      %gather3A_236 = tpu.vector_load_idx %arg10[%add3A_172, %broadcast_in_dim3A_234] : memref<512x32xf32, #tpu.memory_space<vmem>>[vector<16xi32>, vector<16xi32>], vector<16xf32>,
      %mul3A_237 = arith.mulf %gather3A_235, %gather3A_236 : vector<16xf32>
      %add3A_238 = arith.addf %add3A_232, %mul3A_237 : vector<16xf32>
      %broadcast_in_dim3A_239 = arith.constant 11 : i32
      %broadcast_in_dim3A_240 = vector.broadcast %broadcast_in_dim3A_239 : i32 to vector<16xi32>
      %gather3A_241 = tpu.vector_load_idx %arg9[%add3A_172, %broadcast_in_dim3A_240] : memref<512x32xf32, #tpu.memory_space<vmem>>[vector<16xi32>, vector<16xi32>], vector<16xf32>,
      %gather3A_242 = tpu.vector_load_idx %arg10[%add3A_172, %broadcast_in_dim3A_240] : memref<512x32xf32, #tpu.memory_space<vmem>>[vector<16xi32>, vector<16xi32>], vector<16xf32>,
      %mul3A_243 = arith.mulf %gather3A_241, %gather3A_242 : vector<16xf32>
      %add3A_244 = arith.addf %add3A_238, %mul3A_243 : vector<16xf32>
      %broadcast_in_dim3A_245 = arith.constant 12 : i32
      %broadcast_in_dim3A_246 = vector.broadcast %broadcast_in_dim3A_245 : i32 to vector<16xi32>
      %gather3A_247 = tpu.vector_load_idx %arg9[%add3A_172, %broadcast_in_dim3A_246] : memref<512x32xf32, #tpu.memory_space<vmem>>[vector<16xi32>, vector<16xi32>], vector<16xf32>,
      %gather3A_248 = tpu.vector_load_idx %arg10[%add3A_172, %broadcast_in_dim3A_246] : memref<512x32xf32, #tpu.memory_space<vmem>>[vector<16xi32>, vector<16xi32>], vector<16xf32>,
      %mul3A_249 = arith.mulf %gather3A_247, %gather3A_248 : vector<16xf32>
      %add3A_250 = arith.addf %add3A_244, %mul3A_249 : vector<16xf32>
      %broadcast_in_dim3A_251 = arith.constant 13 : i32
      %broadcast_in_dim3A_252 = vector.broadcast %broadcast_in_dim3A_251 : i32 to vector<16xi32>
      %gather3A_253 = tpu.vector_load_idx %arg9[%add3A_172, %broadcast_in_dim3A_252] : memref<512x32xf32, #tpu.memory_space<vmem>>[vector<16xi32>, vector<16xi32>], vector<16xf32>,
      %gather3A_254 = tpu.vector_load_idx %arg10[%add3A_172, %broadcast_in_dim3A_252] : memref<512x32xf32, #tpu.memory_space<vmem>>[vector<16xi32>, vector<16xi32>], vector<16xf32>,
      %mul3A_255 = arith.mulf %gather3A_253, %gather3A_254 : vector<16xf32>
      %add3A_256 = arith.addf %add3A_250, %mul3A_255 : vector<16xf32>
      %broadcast_in_dim3A_257 = arith.constant 14 : i32
      %broadcast_in_dim3A_258 = vector.broadcast %broadcast_in_dim3A_257 : i32 to vector<16xi32>
      %gather3A_259 = tpu.vector_load_idx %arg9[%add3A_172, %broadcast_in_dim3A_258] : memref<512x32xf32, #tpu.memory_space<vmem>>[vector<16xi32>, vector<16xi32>], vector<16xf32>,
      %gather3A_260 = tpu.vector_load_idx %arg10[%add3A_172, %broadcast_in_dim3A_258] : memref<512x32xf32, #tpu.memory_space<vmem>>[vector<16xi32>, vector<16xi32>], vector<16xf32>,
      %mul3A_261 = arith.mulf %gather3A_259, %gather3A_260 : vector<16xf32>
      %add3A_262 = arith.addf %add3A_256, %mul3A_261 : vector<16xf32>
      %broadcast_in_dim3A_263 = arith.constant 15 : i32
      %broadcast_in_dim3A_264 = vector.broadcast %broadcast_in_dim3A_263 : i32 to vector<16xi32>
      %gather3A_265 = tpu.vector_load_idx %arg9[%add3A_172, %broadcast_in_dim3A_264] : memref<512x32xf32, #tpu.memory_space<vmem>>[vector<16xi32>, vector<16xi32>], vector<16xf32>,
      %gather3A_266 = tpu.vector_load_idx %arg10[%add3A_172, %broadcast_in_dim3A_264] : memref<512x32xf32, #tpu.memory_space<vmem>>[vector<16xi32>, vector<16xi32>], vector<16xf32>,
      %mul3A_267 = arith.mulf %gather3A_265, %gather3A_266 : vector<16xf32>
      %add3A_268 = arith.addf %add3A_262, %mul3A_267 : vector<16xf32>
      %broadcast_in_dim3A_269 = arith.constant 16 : i32
      %broadcast_in_dim3A_270 = vector.broadcast %broadcast_in_dim3A_269 : i32 to vector<16xi32>
      %gather3A_271 = tpu.vector_load_idx %arg9[%add3A_172, %broadcast_in_dim3A_270] : memref<512x32xf32, #tpu.memory_space<vmem>>[vector<16xi32>, vector<16xi32>], vector<16xf32>,
      %gather3A_272 = tpu.vector_load_idx %arg10[%add3A_172, %broadcast_in_dim3A_270] : memref<512x32xf32, #tpu.memory_space<vmem>>[vector<16xi32>, vector<16xi32>], vector<16xf32>,
      %mul3A_273 = arith.mulf %gather3A_271, %gather3A_272 : vector<16xf32>
      %add3A_274 = arith.addf %add3A_268, %mul3A_273 : vector<16xf32>
      %broadcast_in_dim3A_275 = arith.constant 17 : i32
      %broadcast_in_dim3A_276 = vector.broadcast %broadcast_in_dim3A_275 : i32 to vector<16xi32>
      %gather3A_277 = tpu.vector_load_idx %arg9[%add3A_172, %broadcast_in_dim3A_276] : memref<512x32xf32, #tpu.memory_space<vmem>>[vector<16xi32>, vector<16xi32>], vector<16xf32>,
      %gather3A_278 = tpu.vector_load_idx %arg10[%add3A_172, %broadcast_in_dim3A_276] : memref<512x32xf32, #tpu.memory_space<vmem>>[vector<16xi32>, vector<16xi32>], vector<16xf32>,
      %mul3A_279 = arith.mulf %gather3A_277, %gather3A_278 : vector<16xf32>
      %add3A_280 = arith.addf %add3A_274, %mul3A_279 : vector<16xf32>
      %broadcast_in_dim3A_281 = arith.constant 18 : i32
      %broadcast_in_dim3A_282 = vector.broadcast %broadcast_in_dim3A_281 : i32 to vector<16xi32>
      %gather3A_283 = tpu.vector_load_idx %arg9[%add3A_172, %broadcast_in_dim3A_282] : memref<512x32xf32, #tpu.memory_space<vmem>>[vector<16xi32>, vector<16xi32>], vector<16xf32>,
      %gather3A_284 = tpu.vector_load_idx %arg10[%add3A_172, %broadcast_in_dim3A_282] : memref<512x32xf32, #tpu.memory_space<vmem>>[vector<16xi32>, vector<16xi32>], vector<16xf32>,
      %mul3A_285 = arith.mulf %gather3A_283, %gather3A_284 : vector<16xf32>
      %add3A_286 = arith.addf %add3A_280, %mul3A_285 : vector<16xf32>
      %broadcast_in_dim3A_287 = arith.constant 19 : i32
      %broadcast_in_dim3A_288 = vector.broadcast %broadcast_in_dim3A_287 : i32 to vector<16xi32>
      %gather3A_289 = tpu.vector_load_idx %arg9[%add3A_172, %broadcast_in_dim3A_288] : memref<512x32xf32, #tpu.memory_space<vmem>>[vector<16xi32>, vector<16xi32>], vector<16xf32>,
      %gather3A_290 = tpu.vector_load_idx %arg10[%add3A_172, %broadcast_in_dim3A_288] : memref<512x32xf32, #tpu.memory_space<vmem>>[vector<16xi32>, vector<16xi32>], vector<16xf32>,
      %mul3A_291 = arith.mulf %gather3A_289, %gather3A_290 : vector<16xf32>
      %add3A_292 = arith.addf %add3A_286, %mul3A_291 : vector<16xf32>
      %broadcast_in_dim3A_293 = arith.constant 20 : i32
      %broadcast_in_dim3A_294 = vector.broadcast %broadcast_in_dim3A_293 : i32 to vector<16xi32>
      %gather3A_295 = tpu.vector_load_idx %arg9[%add3A_172, %broadcast_in_dim3A_294] : memref<512x32xf32, #tpu.memory_space<vmem>>[vector<16xi32>, vector<16xi32>], vector<16xf32>,
      %gather3A_296 = tpu.vector_load_idx %arg10[%add3A_172, %broadcast_in_dim3A_294] : memref<512x32xf32, #tpu.memory_space<vmem>>[vector<16xi32>, vector<16xi32>], vector<16xf32>,
      %mul3A_297 = arith.mulf %gather3A_295, %gather3A_296 : vector<16xf32>
      %add3A_298 = arith.addf %add3A_292, %mul3A_297 : vector<16xf32>
      %broadcast_in_dim3A_299 = arith.constant 21 : i32
      %broadcast_in_dim3A_300 = vector.broadcast %broadcast_in_dim3A_299 : i32 to vector<16xi32>
      %gather3A_301 = tpu.vector_load_idx %arg9[%add3A_172, %broadcast_in_dim3A_300] : memref<512x32xf32, #tpu.memory_space<vmem>>[vector<16xi32>, vector<16xi32>], vector<16xf32>,
      %gather3A_302 = tpu.vector_load_idx %arg10[%add3A_172, %broadcast_in_dim3A_300] : memref<512x32xf32, #tpu.memory_space<vmem>>[vector<16xi32>, vector<16xi32>], vector<16xf32>,
      %mul3A_303 = arith.mulf %gather3A_301, %gather3A_302 : vector<16xf32>
      %add3A_304 = arith.addf %add3A_298, %mul3A_303 : vector<16xf32>
      %broadcast_in_dim3A_305 = arith.constant 22 : i32
      %broadcast_in_dim3A_306 = vector.broadcast %broadcast_in_dim3A_305 : i32 to vector<16xi32>
      %gather3A_307 = tpu.vector_load_idx %arg9[%add3A_172, %broadcast_in_dim3A_306] : memref<512x32xf32, #tpu.memory_space<vmem>>[vector<16xi32>, vector<16xi32>], vector<16xf32>,
      %gather3A_308 = tpu.vector_load_idx %arg10[%add3A_172, %broadcast_in_dim3A_306] : memref<512x32xf32, #tpu.memory_space<vmem>>[vector<16xi32>, vector<16xi32>], vector<16xf32>,
      %mul3A_309 = arith.mulf %gather3A_307, %gather3A_308 : vector<16xf32>
      %add3A_310 = arith.addf %add3A_304, %mul3A_309 : vector<16xf32>
      %broadcast_in_dim3A_311 = arith.constant 23 : i32
      %broadcast_in_dim3A_312 = vector.broadcast %broadcast_in_dim3A_311 : i32 to vector<16xi32>
      %gather3A_313 = tpu.vector_load_idx %arg9[%add3A_172, %broadcast_in_dim3A_312] : memref<512x32xf32, #tpu.memory_space<vmem>>[vector<16xi32>, vector<16xi32>], vector<16xf32>,
      %gather3A_314 = tpu.vector_load_idx %arg10[%add3A_172, %broadcast_in_dim3A_312] : memref<512x32xf32, #tpu.memory_space<vmem>>[vector<16xi32>, vector<16xi32>], vector<16xf32>,
      %mul3A_315 = arith.mulf %gather3A_313, %gather3A_314 : vector<16xf32>
      %add3A_316 = arith.addf %add3A_310, %mul3A_315 : vector<16xf32>
      %broadcast_in_dim3A_317 = arith.constant 24 : i32
      %broadcast_in_dim3A_318 = vector.broadcast %broadcast_in_dim3A_317 : i32 to vector<16xi32>
      %gather3A_319 = tpu.vector_load_idx %arg9[%add3A_172, %broadcast_in_dim3A_318] : memref<512x32xf32, #tpu.memory_space<vmem>>[vector<16xi32>, vector<16xi32>], vector<16xf32>,
      %gather3A_320 = tpu.vector_load_idx %arg10[%add3A_172, %broadcast_in_dim3A_318] : memref<512x32xf32, #tpu.memory_space<vmem>>[vector<16xi32>, vector<16xi32>], vector<16xf32>,
      %mul3A_321 = arith.mulf %gather3A_319, %gather3A_320 : vector<16xf32>
      %add3A_322 = arith.addf %add3A_316, %mul3A_321 : vector<16xf32>
      %broadcast_in_dim3A_323 = arith.constant 25 : i32
      %broadcast_in_dim3A_324 = vector.broadcast %broadcast_in_dim3A_323 : i32 to vector<16xi32>
      %gather3A_325 = tpu.vector_load_idx %arg9[%add3A_172, %broadcast_in_dim3A_324] : memref<512x32xf32, #tpu.memory_space<vmem>>[vector<16xi32>, vector<16xi32>], vector<16xf32>,
      %gather3A_326 = tpu.vector_load_idx %arg10[%add3A_172, %broadcast_in_dim3A_324] : memref<512x32xf32, #tpu.memory_space<vmem>>[vector<16xi32>, vector<16xi32>], vector<16xf32>,
      %mul3A_327 = arith.mulf %gather3A_325, %gather3A_326 : vector<16xf32>
      %add3A_328 = arith.addf %add3A_322, %mul3A_327 : vector<16xf32>
      %broadcast_in_dim3A_329 = arith.constant 26 : i32
      %broadcast_in_dim3A_330 = vector.broadcast %broadcast_in_dim3A_329 : i32 to vector<16xi32>
      %gather3A_331 = tpu.vector_load_idx %arg9[%add3A_172, %broadcast_in_dim3A_330] : memref<512x32xf32, #tpu.memory_space<vmem>>[vector<16xi32>, vector<16xi32>], vector<16xf32>,
      %gather3A_332 = tpu.vector_load_idx %arg10[%add3A_172, %broadcast_in_dim3A_330] : memref<512x32xf32, #tpu.memory_space<vmem>>[vector<16xi32>, vector<16xi32>], vector<16xf32>,
      %mul3A_333 = arith.mulf %gather3A_331, %gather3A_332 : vector<16xf32>
      %add3A_334 = arith.addf %add3A_328, %mul3A_333 : vector<16xf32>
      %broadcast_in_dim3A_335 = arith.constant 27 : i32
      %broadcast_in_dim3A_336 = vector.broadcast %broadcast_in_dim3A_335 : i32 to vector<16xi32>
      %gather3A_337 = tpu.vector_load_idx %arg9[%add3A_172, %broadcast_in_dim3A_336] : memref<512x32xf32, #tpu.memory_space<vmem>>[vector<16xi32>, vector<16xi32>], vector<16xf32>,
      %gather3A_338 = tpu.vector_load_idx %arg10[%add3A_172, %broadcast_in_dim3A_336] : memref<512x32xf32, #tpu.memory_space<vmem>>[vector<16xi32>, vector<16xi32>], vector<16xf32>,
      %mul3A_339 = arith.mulf %gather3A_337, %gather3A_338 : vector<16xf32>
      %add3A_340 = arith.addf %add3A_334, %mul3A_339 : vector<16xf32>
      %broadcast_in_dim3A_341 = arith.constant 28 : i32
      %broadcast_in_dim3A_342 = vector.broadcast %broadcast_in_dim3A_341 : i32 to vector<16xi32>
      %gather3A_343 = tpu.vector_load_idx %arg9[%add3A_172, %broadcast_in_dim3A_342] : memref<512x32xf32, #tpu.memory_space<vmem>>[vector<16xi32>, vector<16xi32>], vector<16xf32>,
      %gather3A_344 = tpu.vector_load_idx %arg10[%add3A_172, %broadcast_in_dim3A_342] : memref<512x32xf32, #tpu.memory_space<vmem>>[vector<16xi32>, vector<16xi32>], vector<16xf32>,
      %mul3A_345 = arith.mulf %gather3A_343, %gather3A_344 : vector<16xf32>
      %add3A_346 = arith.addf %add3A_340, %mul3A_345 : vector<16xf32>
      %broadcast_in_dim3A_347 = arith.constant 29 : i32
      %broadcast_in_dim3A_348 = vector.broadcast %broadcast_in_dim3A_347 : i32 to vector<16xi32>
      %gather3A_349 = tpu.vector_load_idx %arg9[%add3A_172, %broadcast_in_dim3A_348] : memref<512x32xf32, #tpu.memory_space<vmem>>[vector<16xi32>, vector<16xi32>], vector<16xf32>,
      %gather3A_350 = tpu.vector_load_idx %arg10[%add3A_172, %broadcast_in_dim3A_348] : memref<512x32xf32, #tpu.memory_space<vmem>>[vector<16xi32>, vector<16xi32>], vector<16xf32>,
      %mul3A_351 = arith.mulf %gather3A_349, %gather3A_350 : vector<16xf32>
      %add3A_352 = arith.addf %add3A_346, %mul3A_351 : vector<16xf32>
      %broadcast_in_dim3A_353 = arith.constant 30 : i32
      %broadcast_in_dim3A_354 = vector.broadcast %broadcast_in_dim3A_353 : i32 to vector<16xi32>
      %gather3A_355 = tpu.vector_load_idx %arg9[%add3A_172, %broadcast_in_dim3A_354] : memref<512x32xf32, #tpu.memory_space<vmem>>[vector<16xi32>, vector<16xi32>], vector<16xf32>,
      %gather3A_356 = tpu.vector_load_idx %arg10[%add3A_172, %broadcast_in_dim3A_354] : memref<512x32xf32, #tpu.memory_space<vmem>>[vector<16xi32>, vector<16xi32>], vector<16xf32>,
      %mul3A_357 = arith.mulf %gather3A_355, %gather3A_356 : vector<16xf32>
      %add3A_358 = arith.addf %add3A_352, %mul3A_357 : vector<16xf32>
      %broadcast_in_dim3A_359 = arith.constant 31 : i32
      %broadcast_in_dim3A_360 = vector.broadcast %broadcast_in_dim3A_359 : i32 to vector<16xi32>
      %gather3A_361 = tpu.vector_load_idx %arg9[%add3A_172, %broadcast_in_dim3A_360] : memref<512x32xf32, #tpu.memory_space<vmem>>[vector<16xi32>, vector<16xi32>], vector<16xf32>,
      %gather3A_362 = tpu.vector_load_idx %arg10[%add3A_172, %broadcast_in_dim3A_360] : memref<512x32xf32, #tpu.memory_space<vmem>>[vector<16xi32>, vector<16xi32>], vector<16xf32>,
      %mul3A_363 = arith.mulf %gather3A_361, %gather3A_362 : vector<16xf32>
      %add3A_364 = arith.addf %add3A_358, %mul3A_363 : vector<16xf32>
      %neg3A = arith.constant 0.000000e+00 : f32
      %neg3A_365 = vector.broadcast %neg3A : f32 to vector<16xf32>
      %neg3A_366 = arith.subf %neg3A_365, %add3A_364 : vector<16xf32>
      %exp3A = math.exp %neg3A_366 : vector<16xf32>
      %add3A_367 = arith.constant 1.000000e+00 : f32
      %add3A_368 = vector.broadcast %add3A_367 : f32 to vector<16xf32>
      %add3A_369 = arith.addf %add3A_368, %exp3A : vector<16xf32>
      %div3A = arith.constant 1.000000e+00 : f32
      %div3A_370 = vector.broadcast %div3A : f32 to vector<16xf32>
      %div3A_371 = arith.divf %div3A_370, %add3A_369 : vector<16xf32>
      %mul3A_372 = arith.constant 16 : i32
      %mul3A_373 = arith.muli %scan3A_168, %mul3A_372 : i32
      %swap3A = arith.index_cast %mul3A_373 : i32 to index
      %swap3A_374 = tpu.vector_load %arg11[%swap3A] {strides = array<i32>} : memref<512xf32, #tpu.memory_space<vmem>>, vector<16xf32>,
      tpu.vector_store %arg11[%swap3A], %div3A_371 {strides = array<i32>} : memref<512xf32, #tpu.memory_space<vmem>>, vector<16xf32>,
    }
    %scan3A_167 = arith.constant 32 : i32
    "tpu.region"() ({
      %run_scoped3A = tpu.sem_alloc : memref<!tpu.dma_semaphore, #tpu.memory_space<semaphore_mem>>
      %dma_start3A_168 = tpu.memref_slice %arg6[%mul3A_2] : memref<16384xf32, #tpu.memory_space<hbm>> -> memref<512xf32, #tpu.memory_space<hbm>>
      %dma_start3A_169 = tpu.memref_slice %arg6[%mul3A_2] : memref<16384xf32, #tpu.memory_space<hbm>> -> memref<512xf32, #tpu.memory_space<hbm>>
      tpu.enqueue_dma source(%arg11 : memref<512xf32, #tpu.memory_space<vmem>>) target(%dma_start3A_169 : memref<512xf32, #tpu.memory_space<hbm>>) target_semaphore(%run_scoped3A : memref<!tpu.dma_semaphore, #tpu.memory_space<semaphore_mem>>)
      %dma_wait3A_170 = tpu.memref_slice %arg6[%mul3A_2] : memref<16384xf32, #tpu.memory_space<hbm>> -> memref<512xf32, #tpu.memory_space<hbm>>
      %dma_wait3A_171 = tpu.memref_slice %arg6[%mul3A_2] : memref<16384xf32, #tpu.memory_space<hbm>> -> memref<512xf32, #tpu.memory_space<hbm>>
      tpu.wait_dma2 semaphore(%run_scoped3A : memref<!tpu.dma_semaphore, #tpu.memory_space<semaphore_mem>>) src(%arg11 : memref<512xf32, #tpu.memory_space<vmem>>) dst(%dma_wait3A_171 : memref<512xf32, #tpu.memory_space<hbm>>)
      tpu.yield
    }) : () -> ()
    return
  }
}

</mosaic_0001>

<sc_bundles>
// kernel: kernel.3.cloned.1.call-start
scs
__scs_entry_jumppad:
0x0: {  	(pc) =	sbr.rel $0x88, $3  }
0x1: {  	(tag) =	ssettag $0x0;
	lr =	simm.s32 $0x1  }
0x2: {  	[smem:$0x3F9D] =	sst lr;
	_ =	strace $0xD0000000  }
0x3: {  	_ = 	snop  }
0x4: {  	_ = 	snop  }
0x5: {  	_ = 	snop  }
0x6: {  	_ = 	snop  }
0x7: {  	_ = 	snop  }
__scs_overlays_trampoline_lowered:
0x8: {  	[smem:$0x3FAC] =	sst s0  }
0x9: {  	[smem:$0x3FAD] =	sst s1  }
0xa: {  	[smem:$0x3FAE] =	sst s2  }
0xb: {  	[smem:$0x3FAF] =	sst s3  }
0xc: {  	[smem:$0x3FB0] =	sst s4  }
0xd: {  	[smem:$0x3FB1] =	sst s5  }
0xe: {  	[smem:$0x3FB2] =	sst s6  }
0xf: {  	[smem:$0x3FB3] =	sst s7  }
0x10: {  	[smem:$0x3FB4] =	sst s8  }
0x11: {  	[smem:$0x3FB5] =	sst s9;
	s0 =	simm.s32 @!p0 $0x0  }
0x12: {  	s1 =	sld [smem:$0x3F9B];
	s0 =	simm.s32 @p0 $0x1  }
0x13: {  	[smem:$0x3FB6] =	sst s0;
	s0 =	simm.s32 @!p1 $0x0  }
0x14: {  	s2 =	sld [smem:$0x3F9A];
	s0 =	simm.s32 @p1 $0x1  }
0x15: {  	[smem:$0x3FB7] =	sst s0;
	s0 =	simm.s32 @!p2 $0x0  }
0x16: {  	s3 =	sld [smem:$0x3FDB];
	s0 =	simm.s32 @p2 $0x1  }
0x17: {  	s4 =	simm.s32 $0x1BF5;
	[smem:$0x3FB9] =	sst s0  }
0x18: {  	s0 =	sld [smem:$0x3F9C];
	_ =	swait.ge [sflag:s4], $0x0  }
0x19: {  	s7 =	sld [smem:$0x3F9D]  }
0x1a: {  	s8 =	sadd.s32 $0xFFFFE003, lr  }
0x1b: {  	s9 =	sadd.s32 $0xFFFFFEF7, lr;
	s5 =	simm.s32 $0xFFFFFFFF;
	p2 =	slt.u32 s8, $0xFFFFF086  }
0x1c: {  	p1 =	slt.u32 s9, $0xF7A;
	s5 =	simm.s32 @!p2 $0x0  }
0x1d: {  	s5 =	simm.s32 @p1 $0x1;
	p0 =	seq.s32 s7, s2  }
0x1e: {  	s7 =	smul.u32 @!p0 $0xF7A, s2;
	p2 =	seq.s32 @!p0 s5, $0x0  }
0x1f: {  	s9 =	smul.u32 $0xF7A, s1;
	s8 =	simm.s32 @!p0 $0x1BF5;
	p2 =	por !p2, p0  }
0x20: {  	[sflag:s8] =	ssyncset.s32 @!p0 $0xFFFFF086;
	s6 =	sadd.s32 @!p0 s3, s7;
	s7 =	simm.s32 @!p0 $0x108  }
0x21: {  	s3 =	sadd.s32 s3, s9;
	s6 =	sadd.s32 @!p0 $0x88, s6;
	s7 =	simm.s32 @p2 $0x1082  }
0x22: {  	[simem:s7], [sflag:s8] =	dma.local @!p0 [hbm:s6], $0xF7A  }
0x23: {  	s9 =	sor.u32 $0xD0000000, s2;
	s6 =	simm.s32 $0x108;
	_ =	swait.ge @!p0 [sflag:s8], $0x0  }
0x24: {  	s3 =	sadd.s32 $0x88, s3;
	s6 =	simm.s32 @!p1 $0x1082;
	[sflag:s4] =	ssyncset.s32 $0xFFFFF086  }
0x25: {  	[simem:s6], [sflag:s4] =	dma.local [hbm:s3], $0xF7A  }
0x26: {  	[smem:$0x3F9D] =	sst s1;
	(tag) =	ssettag s2;
	_ =	strace s9  }
0x27: {  	s1 =	sld [smem:$0x3FAD]  }
0x28: {  	s2 =	sld [smem:$0x3FAE]  }
0x29: {  	s4 =	sld [smem:$0x3FB0]  }
0x2a: {  	p0 =	seq.s32 s5, $0x0;
	s5 =	sld [smem:$0x3FB1]  }
0x2b: {  	s6 =	sld [smem:$0x3FB2]  }
0x2c: {  	s7 =	sld [smem:$0x3FB3]  }
0x2d: {  	s3 =	simm.s32 $0x108;
	s8 =	sld [smem:$0x3FB4]  }
0x2e: {  	s3 =	simm.s32 @!p0 $0x1082;
	s9 =	sld [smem:$0x3FB5]  }
0x2f: {  	lr =	sadd.s32 s0, s3;
	s0 =	sld [smem:$0x3FAC]  }
0x30: {  	s3 =	sld [smem:$0x3FAF]  }
0x31: {  	[smem:$0x3FB8] =	sst s10  }
0x32: {  	s10 =	sld [smem:$0x3FB6];
	_ =	sdelay $0x3  }
0x33: {  	p0 =	seq.s32 s10, $0x1;
	s10 =	sld [smem:$0x3FB8];
	_ =	sdelay $0x3  }
0x34: {  	[smem:$0x3FB8] =	sst s10  }
0x35: {  	s10 =	sld [smem:$0x3FB7];
	_ =	sdelay $0x3  }
0x36: {  	p1 =	seq.s32 s10, $0x1;
	s10 =	sld [smem:$0x3FB8];
	_ =	sdelay $0x3  }
0x37: {  	[smem:$0x3FB8] =	sst s10  }
0x38: {  	s10 =	sld [smem:$0x3FB9]  }
0x39: {  	_ = 	snop;
	(pc) =	sbr.ind lr, $3  }
0x3a: {  	_ = 	snop  }
0x3b: {  	_ = 	snop  }
0x3c: {  	p2 =	seq.s32 s10, $0x1;
	s10 =	sld [smem:$0x3FB8]  }
0x3d: {  	_ =	shalt  }
0x3e: {  	_ =	shalt  }
0x3f: {  	_ =	shalt  }
0x40: {  	_ =	shalt  }
0x41: {  	_ =	shalt  }
0x42: {  	_ =	shalt  }
0x43: {  	_ =	shalt  }
0x44: {  	_ =	shalt  }
0x45: {  	_ =	shalt  }
0x46: {  	_ =	shalt  }
0x47: {  	_ =	shalt  }
0x48: {  	_ =	shalt  }
0x49: {  	_ =	shalt  }
0x4a: {  	_ =	shalt  }
0x4b: {  	_ =	shalt  }
0x4c: {  	_ =	shalt  }
0x4d: {  	_ =	shalt  }
0x4e: {  	_ =	shalt  }
0x4f: {  	_ =	shalt  }
0x50: {  	_ =	shalt  }
0x51: {  	_ =	shalt  }
0x52: {  	_ =	shalt  }
0x53: {  	_ =	shalt  }
0x54: {  	_ =	shalt  }
0x55: {  	_ =	shalt  }
0x56: {  	_ =	shalt  }
0x57: {  	_ =	shalt  }
0x58: {  	_ =	shalt  }
0x59: {  	_ =	shalt  }
0x5a: {  	_ =	shalt  }
0x5b: {  	_ =	shalt  }
0x5c: {  	_ =	shalt  }
0x5d: {  	_ =	shalt  }
0x5e: {  	_ =	shalt  }
0x5f: {  	_ =	shalt  }
0x60: {  	_ =	shalt  }
0x61: {  	_ =	shalt  }
0x62: {  	_ =	shalt  }
0x63: {  	_ =	shalt  }
0x64: {  	_ =	shalt  }
0x65: {  	_ =	shalt  }
0x66: {  	_ =	shalt  }
0x67: {  	_ =	shalt  }
0x68: {  	_ =	shalt  }
0x69: {  	_ =	shalt  }
0x6a: {  	_ =	shalt  }
0x6b: {  	_ =	shalt  }
0x6c: {  	_ =	shalt  }
0x6d: {  	_ =	shalt  }
0x6e: {  	_ =	shalt  }
0x6f: {  	_ =	shalt  }
0x70: {  	_ =	shalt  }
0x71: {  	_ =	shalt  }
0x72: {  	_ =	shalt  }
0x73: {  	_ =	shalt  }
0x74: {  	_ =	shalt  }
0x75: {  	_ =	shalt  }
0x76: {  	_ =	shalt  }
0x77: {  	_ =	shalt  }
0x78: {  	_ =	shalt  }
0x79: {  	_ =	shalt  }
0x7a: {  	_ =	shalt  }
0x7b: {  	_ =	shalt  }
0x7c: {  	_ =	shalt  }
0x7d: {  	_ =	shalt  }
0x7e: {  	_ =	shalt  }
0x7f: {  	_ =	shalt  }
0x80: {  	_ =	shalt  }
0x81: {  	_ =	shalt  }
0x82: {  	_ =	shalt  }
0x83: {  	_ =	shalt  }
0x84: {  	_ =	shalt  }
0x85: {  	_ =	shalt  }
0x86: {  	_ =	shalt  }
0x87: {  	_ =	shalt  }
.Lfunc_end0:
.L_simem_size_0:
called_computation_lowered:
.L_overlay_start_0:
0x88: {  	s2 =	sld [smem:$0x3FD9]  }
0x89: {  	s3 =	sld [smem:$0x3FFE];
	_ =	sdelay $0x1  }
0x8a: {  	s1 =	srdreg.scid  }
0x8b: {  	s0 =	sand.u32 $0x1, s1  }
0x8c: {  	s17 =	sshll.u32 s0, $0xA;
	s2 =	sadd.s32 s3, s2  }
0x8d: {  	s2 =	sadd.s32 s2, s17  }
0x8e: {  	[smem:$0x3FC4] =	sst s2  }
0x8f: {  	_ = 	snop  }
0x90: {  	s2 =	sld [smem:$0x3FC7]  }
0x91: {  	s18 =	sld [smem:$0x3FC6]  }
0x92: {  	s4 =	sld [smem:$0x3FD0];
	(tm) =	ssettm $0x1  }
0x93: {  	s5 =	sld [smem:$0x3FFB];
	_ =	sdelay $0x3  }
0x94: {  	_ =	strace s5  }
0x95: {  	s5 =	sld [smem:$0x3FFC];
	_ =	sdelay $0x3  }
0x96: {  	_ =	strace s5  }
0x97: {  	s5 =	sld [smem:$0x3FFD];
	_ =	sdelay $0x3  }
0x98: {  	_ =	strace s5  }
0x99: {  	_ =	strace $0x8FFFFFFF  }
0x9a: {  	s19 =	sld [smem:$0x3FDB];
	_ =	sdelay $0x1  }
0x9b: {  	s6 =	simm.s32 $_scs_section_size  }
0x9c: {  	s7 =	simm.s32 $_size__tile_overlayer_lowered;
	s8 =	simm.s32 $_tile_overlayer_lowered  }
0x9d: {  	s22 =	simm.s32 $0x1BFF;
	s21 =	sshll.u32 s8, $0x1;
	s5 =	sadd.s32 s6, s19  }
0x9e: {  	s9 =	simm.s32 $0x0;
	s20 =	sshll.u32 s7, $0x1;
	s7 =	sadd.s32 s21, s5  }
0x9f: {  	[timem:s9], [sflag:s22] =	dma.local [hbm:s7], s20  }
0xa0: {  	_ =	swait.ge [sflag:s22], s20  }
0xa1: {  	s6 =	ssub.s32 $0x0, s20;
	[sflag:s22] =	ssyncset.done $0x0  }
0xa2: {  	[sflag:s22] =	ssyncadd.s32 s6;
	_ =	sdelay $0x1  }
0xa3: {  	s23 =	simm.s32 $0x1B8B  }
0xa4: {  	_ =	swait.ge [sflag:s23], $0x1  }
0xa5: {  	[sflag:s23] =	ssyncset.done $0x0  }
0xa6: {  	s25 =	simm.s32 $0x1B8E;
	s24 =	sld [smem:$0x3FFE];
	[sflag:s23] =	ssyncadd.s32 $0xFFFFFFFF  }
0xa7: {  	s26 =	simm.s32 $execute0_lowered;
	[smem:$0x3FD2] =	sst s25  }
0xa8: {  	s7 =	sshll.u32 s26, $0x1;
	_ =	strace $0x80000046;
	[dreg:$0x1] =	wrdreg $0xFFFFFFFF  }
0xa9: {  	s28 =	simm.s32 $_size_execute0_lowered;
	s5 =	sadd.s32 s5, s7;
	[dreg:$0x0] =	wrdreg $0x0  }
0xaa: {  	s7 =	sshll.u32 s28, $0x1;
	[dreg:$0x2] =	wrdreg s5  }
0xab: {  	[dreg:$0x3] =	wrdreg s7  }
0xac: {  	[dreg:$0x4] =	wrdreg $0xC0  }
0xad: {  	_ =	task [dreg:s9], $0x5FFFF  }
0xae: {  	[dreg:$0x1] =	wrdreg $0xFFFFFFFF  }
0xaf: {  	[dreg:$0x0] =	wrdreg $0x60  }
0xb0: {  	[dreg:$0x2] =	wrdreg s24  }
0xb1: {  	[dreg:$0x3] =	wrdreg s2  }
0xb2: {  	[dreg:$0x4] =	wrdreg s18  }
0xb3: {  	[dreg:$0x5] =	wrdreg s4  }
0xb4: {  	[dreg:$0x6] =	wrdreg $0x9  }
0xb5: {  	_ =	task.clear_ibuf [dreg:s9], $0x7FFFF;
	_ =	strace $0x90000046  }
0xb6: {  	s29 =	simm.s32 $0x9;
	_ =	strace $0x80000048  }
0xb7: {  	_ =	swait.ge [sflag:s29], $0x1  }
0xb8: {  	[sflag:s29] =	ssyncadd.s32 $0xFFFFFFFF  }
0xb9: {  	_ =	strace $0x90000048  }
0xba: {  	_ =	sfence  }
0xbb: {  	s30 =	sld [smem:$0x0];
	_ =	sdelay $0x2  }
0xbc: {  	s31 =	sshll.u32 s1, $0xD;
	s1 =	sshrl.u32 s1, $0x2  }
0xbd: {  	s3 =	sand.u32 $0x4000, s31;
	s1 =	sadd.s32 s1, s30  }
0xbe: {  	s0 =	sor.u32 s3, s0;
	s1 =	sshll.u32 s1, $0x11  }
0xbf: {  	s0 =	sor.u32 s1, s0  }
0xc0: {  	s0 =	sadd.s32 $0x8F2B, s0  }
0xc1: {  	[sflag:s0] =	ssyncadd.remote.s32 $0x1  }
0xc2: {  	_ =	sfence.sel $0xFFFF  }
0xc3: {  	[dreg:$0x0] =	wrdreg $0xFFFFFFFF;
	(pc) =	sbr.abs _section_cstart, $3  }
0xc4: {  	[dreg:$0x1] =	wrdreg $0xFFFFFFFF  }
0xc5: {  	_ =	task.clear_ibuf [dreg:s9], $0x2FFFF;
	_ =	strace $0x9FFFFFFF  }
0xc6: {  	(tm) =	ssettm $0x7FFFFFFF  }
0xc7: {  	_ =	shalt  }
tec
execute0_lowered:
.L_overlay_start_1:
0x0: {  	(tag) =	ssettag $0x1  }
0x1: {  	s4 =	rddreg [dreg:$0x0]  }
0x2: {  	s5 =	rddreg [dreg:$0x1]  }
0x3: {  	s6 =	rddreg [dreg:$0x2]  }
0x4: {  	s7 =	rddreg [dreg:$0x3]  }
0x5: {  	s0 =	rddreg [dreg:$0x4];
	s1 =	simm.s32 $0x0  }
0x6: {  	s8 =	srdreg.scid;
	s2 =	stileid.u32;
	s12 =	simm.s32 $0x400  }
0x7: {  	s13 =	simm.s32 $0x4400;
	s14 =	simm.s32 $0x1400;
	s15 =	simm.s32 $0x280  }
0x8: {  	s16 =	simm.s32 $0x5400;
	s17 =	simm.s32 $0x100;
	s18 =	simm.s32 $0x2400  }
0x9: {  	s19 =	simm.s32 $0x300;
	s20 =	simm.s32 $0x6400;
	s21 =	simm.s32 $0x180  }
0xa: {  	s22 =	simm.s32 $0x3400;
	s23 =	simm.s32 $0x380;
	s24 =	simm.s32 $0x7400  }
0xb: {  	s25 =	simm.s32 $0x1;
	s26 =	simm.s32 $0x8400;
	s28 =	simm.s32 $0x0  }
0xc: {  	[smem:$0x7FF] =	sst s1;
	s3 =	sadd.s32 $0xF42800, s4;
	s8 =	sand.u32 $0x1, s8  }
0xd: {  	s10 =	sshll.u32 s2, $0x7;
	s4 =	sadd.s32 $0x1313200, s4;
	s9 =	ssub.s32 $0x2, s8  }
0xe: {  	_ =	strace $0x80000047;
	s8 =	sshll.u32 s8, $0x6;
	s11 =	sshrl.u32 s9, $0x1  }
0xf: {  	v0 =	vlaneseq.u32;
	s8 =	sor.u32 s8, s10;
	s10 =	simm.s32 $0x200;
	s9 =	ssub.s32 s9, s11  }
0x10: {  	v0 =	vmul.u32 $0x20, v0;
	s5 =	sadd.s32 s5, s8;
	s6 =	sadd.s32 s6, s8;
	s7 =	sadd.s32 s7, s8  }
0x11: {  	s11 =	simm.s32 $0x80;
	s8 =	smax.u32 s9, $0x1;
	s9 =	simm.s32 $0x2  }
.LBB2_1:
0x12: {  	[tilespmem:s1], [sflag:$0x2] =	stream.linear.gather [hbm4b:s5+s1], $0x200, $0x38;
	[tilespmem:$0x8600] =	vst v63  }
0x13: {  	_ =	swait.ge [sflag:s9], $0x200  }
0x14: {  	[sflag:s9] =	ssyncset.done $0x0  }
0x15: {  	[sflag:s9] =	ssyncadd.s32 $0xFFFFFE00  }
0x16: {  	[tilespmem:s10], [sflag:$0x2] =	stream.linear.gather [hbm4b:s6+s1], $0x200, $0x38;
	[tilespmem:$0x8600] =	vst v63  }
0x17: {  	_ =	swait.ge [sflag:s9], $0x200  }
0x18: {  	[sflag:s9] =	ssyncset.done $0x0  }
0x19: {  	[sflag:s9] =	ssyncadd.s32 $0xFFFFFE00  }
0x1a: {  	[tilespmem:s12], [sflag:$0x1] =	stream.indirect.gather [hbm4b:s3+s11], $0x20, s1, s11, $0xb8;
	[tilespmem:$0x8600] =	vst v63  }
0x1b: {  	_ = 	snop  }
0x1c: {  	[tilespmem:s13], [sflag:$0x1] =	stream.indirect.gather [hbm4b:s4+s11], $0x20, s10, s11, $0xb8;
	[tilespmem:$0x8600] =	vst v63  }
0x1d: {  	_ = 	snop  }
0x1e: {  	[tilespmem:s14], [sflag:$0x1] =	stream.indirect.gather [hbm4b:s3+s11], $0x20, s11, s11, $0xb8;
	[tilespmem:$0x8600] =	vst v63  }
0x1f: {  	_ = 	snop  }
0x20: {  	[tilespmem:s16], [sflag:$0x1] =	stream.indirect.gather [hbm4b:s4+s11], $0x20, s15, s11, $0xb8;
	[tilespmem:$0x8600] =	vst v63  }
0x21: {  	_ = 	snop  }
0x22: {  	[tilespmem:s18], [sflag:$0x1] =	stream.indirect.gather [hbm4b:s3+s11], $0x20, s17, s11, $0xb8;
	[tilespmem:$0x8600] =	vst v63  }
0x23: {  	_ = 	snop  }
0x24: {  	[tilespmem:s20], [sflag:$0x1] =	stream.indirect.gather [hbm4b:s4+s11], $0x20, s19, s11, $0xb8;
	[tilespmem:$0x8600] =	vst v63  }
0x25: {  	_ = 	snop  }
0x26: {  	[tilespmem:s22], [sflag:$0x1] =	stream.indirect.gather [hbm4b:s3+s11], $0x20, s21, s11, $0xb8;
	[tilespmem:$0x8600] =	vst v63  }
0x27: {  	_ = 	snop  }
0x28: {  	[tilespmem:s24], [sflag:$0x1] =	stream.indirect.gather [hbm4b:s4+s11], $0x20, s23, s11, $0xb8;
	[tilespmem:$0x8600] =	vst v63  }
0x29: {  	_ =	swait.ge [sflag:s25], $0x1000  }
0x2a: {  	[sflag:s25] =	ssyncset.done $0x0  }
0x2b: {  	[sflag:s25] =	ssyncadd.s32 $0xFFFFF000  }
0x2c: {  	_ =	swait.ge [sflag:s25], $0x1000  }
0x2d: {  	[sflag:s25] =	ssyncset.done $0x0  }
0x2e: {  	[sflag:s25] =	ssyncadd.s32 $0xFFFFF000  }
0x2f: {  	_ =	swait.ge [sflag:s25], $0x1000  }
0x30: {  	[sflag:s25] =	ssyncset.done $0x0  }
0x31: {  	[sflag:s25] =	ssyncadd.s32 $0xFFFFF000  }
0x32: {  	_ =	swait.ge [sflag:s25], $0x1000  }
0x33: {  	[sflag:s25] =	ssyncset.done $0x0  }
0x34: {  	[sflag:s25] =	ssyncadd.s32 $0xFFFFF000  }
0x35: {  	_ =	swait.ge [sflag:s25], $0x1000  }
0x36: {  	[sflag:s25] =	ssyncset.done $0x0  }
0x37: {  	[sflag:s25] =	ssyncadd.s32 $0xFFFFF000  }
0x38: {  	_ =	swait.ge [sflag:s25], $0x1000  }
0x39: {  	[sflag:s25] =	ssyncset.done $0x0  }
0x3a: {  	v1 =	vmov s1;
	[sflag:s25] =	ssyncadd.s32 $0xFFFFF000  }
0x3b: {  	v1 =	vshll.u32 v1, $0x5;
	_ =	swait.ge [sflag:s25], $0x1000  }
0x3c: {  	v1 =	vor.u32 v0, v1;
	[sflag:s25] =	ssyncset.done $0x0  }
0x3d: {  	[sflag:s25] =	ssyncadd.s32 $0xFFFFF000  }
0x3e: {  	v2 =	vor.u32 $0x1, v1;
	_ =	swait.ge [sflag:s25], $0x1000  }
0x3f: {  	[sflag:s25] =	ssyncset.done $0x0  }
0x40: {  	v3 =	vor.u32 $0x2, v1;
	[sflag:s25] =	ssyncadd.s32 $0xFFFFF000  }
0x41: {  	v4 =	vld.idx.msk [tilespmem:v1+s13+$0x0], $0xffff  }
0x42: {  	v6 =	vor.u32 $0x3, v1;
	v5 =	vld.idx.msk [tilespmem:v1+s12+$0x0], $0xffff  }
0x43: {  	v7 =	vld.idx.msk [tilespmem:v2+s12+$0x0], $0xffff  }
0x44: {  	v8 =	vor.u32 $0x4, v1;
	v2 =	vld.idx.msk [tilespmem:v2+s13+$0x0], $0xffff  }
0x45: {  	v9 =	vld.idx.msk [tilespmem:v3+s12+$0x0], $0xffff  }
0x46: {  	v10 =	vor.u32 $0x5, v1;
	v3 =	vld.idx.msk [tilespmem:v3+s13+$0x0], $0xffff  }
0x47: {  	v11 =	vld.idx.msk [tilespmem:v6+s12+$0x0], $0xffff;
	v4 =	vmul.f32 v4, v5  }
0x48: {  	v41 =	vor.u32 $0x6, v1;
	v40 =	vld.idx.msk [tilespmem:v6+s13+$0x0], $0xffff  }
0x49: {  	v12 =	vld.idx.msk [tilespmem:v8+s12+$0x0], $0xffff;
	v2 =	vmul.f32 v2, v7;
	v4 =	vadd.f32 $0.0e+00, v4  }
0x4a: {  	v43 =	vor.u32 $0x7, v1;
	v42 =	vld.idx.msk [tilespmem:v8+s13+$0x0], $0xffff  }
0x4b: {  	v13 =	vld.idx.msk [tilespmem:v10+s12+$0x0], $0xffff;
	v3 =	vmul.f32 v3, v9;
	v2 =	vadd.f32 v2, v4  }
0x4c: {  	v45 =	vor.u32 $0x8, v1;
	v44 =	vld.idx.msk [tilespmem:v10+s13+$0x0], $0xffff  }
0x4d: {  	v46 =	vld.idx.msk [tilespmem:v41+s12+$0x0], $0xffff;
	v2 =	vadd.f32 v3, v2;
	v3 =	vmul.f32 v40, v11  }
0x4e: {  	v48 =	vor.u32 $0x9, v1;
	v47 =	vld.idx.msk [tilespmem:v41+s13+$0x0], $0xffff  }
0x4f: {  	v49 =	vld.idx.msk [tilespmem:v43+s12+$0x0], $0xffff;
	v2 =	vadd.f32 v3, v2;
	v3 =	vmul.f32 v42, v12  }
0x50: {  	v51 =	vor.u32 $0xA, v1;
	v50 =	vld.idx.msk [tilespmem:v43+s13+$0x0], $0xffff  }
0x51: {  	v52 =	vld.idx.msk [tilespmem:v45+s12+$0x0], $0xffff;
	v2 =	vadd.f32 v3, v2;
	v3 =	vmul.f32 v44, v13  }
0x52: {  	v54 =	vor.u32 $0xB, v1;
	v53 =	vld.idx.msk [tilespmem:v45+s13+$0x0], $0xffff  }
0x53: {  	v55 =	vld.idx.msk [tilespmem:v48+s12+$0x0], $0xffff;
	v2 =	vadd.f32 v3, v2;
	v3 =	vmul.f32 v47, v46  }
0x54: {  	v57 =	vor.u32 $0xC, v1;
	v56 =	vld.idx.msk [tilespmem:v48+s13+$0x0], $0xffff  }
0x55: {  	v58 =	vld.idx.msk [tilespmem:v51+s12+$0x0], $0xffff;
	v2 =	vadd.f32 v3, v2;
	v3 =	vmul.f32 v50, v49  }
0x56: {  	v60 =	vor.u32 $0xD, v1;
	v59 =	vld.idx.msk [tilespmem:v51+s13+$0x0], $0xffff  }
0x57: {  	v61 =	vld.idx.msk [tilespmem:v54+s12+$0x0], $0xffff;
	v2 =	vadd.f32 v3, v2;
	v3 =	vmul.f32 v53, v52  }
0x58: {  	v63 =	vor.u32 $0xE, v1;
	v62 =	vld.idx.msk [tilespmem:v54+s13+$0x0], $0xffff  }
0x59: {  	v16 =	vld.idx.msk [tilespmem:v57+s12+$0x0], $0xffff;
	v2 =	vadd.f32 v3, v2;
	v3 =	vmul.f32 v56, v55  }
0x5a: {  	v18 =	vor.u32 $0xF, v1;
	v17 =	vld.idx.msk [tilespmem:v57+s13+$0x0], $0xffff  }
0x5b: {  	v19 =	vld.idx.msk [tilespmem:v60+s12+$0x0], $0xffff;
	v2 =	vadd.f32 v3, v2;
	v3 =	vmul.f32 v59, v58  }
0x5c: {  	v21 =	vor.u32 $0x10, v1;
	v20 =	vld.idx.msk [tilespmem:v60+s13+$0x0], $0xffff  }
0x5d: {  	v22 =	vld.idx.msk [tilespmem:v63+s12+$0x0], $0xffff;
	v2 =	vadd.f32 v3, v2;
	v3 =	vmul.f32 v62, v61  }
0x5e: {  	v24 =	vor.u32 $0x11, v1;
	v23 =	vld.idx.msk [tilespmem:v63+s13+$0x0], $0xffff  }
0x5f: {  	v25 =	vld.idx.msk [tilespmem:v18+s12+$0x0], $0xffff;
	v2 =	vadd.f32 v3, v2;
	v3 =	vmul.f32 v17, v16  }
0x60: {  	v27 =	vor.u32 $0x12, v1;
	v26 =	vld.idx.msk [tilespmem:v18+s13+$0x0], $0xffff  }
0x61: {  	v28 =	vld.idx.msk [tilespmem:v21+s12+$0x0], $0xffff;
	v2 =	vadd.f32 v3, v2;
	v3 =	vmul.f32 v20, v19  }
0x62: {  	v30 =	vor.u32 $0x13, v1;
	v29 =	vld.idx.msk [tilespmem:v21+s13+$0x0], $0xffff  }
0x63: {  	v31 =	vld.idx.msk [tilespmem:v24+s12+$0x0], $0xffff;
	v2 =	vadd.f32 v3, v2;
	v3 =	vmul.f32 v23, v22  }
0x64: {  	v33 =	vor.u32 $0x14, v1;
	v32 =	vld.idx.msk [tilespmem:v24+s13+$0x0], $0xffff  }
0x65: {  	v34 =	vld.idx.msk [tilespmem:v27+s12+$0x0], $0xffff;
	v2 =	vadd.f32 v3, v2;
	v3 =	vmul.f32 v26, v25  }
0x66: {  	v36 =	vor.u32 $0x15, v1;
	v35 =	vld.idx.msk [tilespmem:v27+s13+$0x0], $0xffff  }
0x67: {  	v37 =	vld.idx.msk [tilespmem:v30+s12+$0x0], $0xffff;
	v2 =	vadd.f32 v3, v2;
	v3 =	vmul.f32 v29, v28  }
0x68: {  	v39 =	vor.u32 $0x16, v1;
	v38 =	vld.idx.msk [tilespmem:v30+s13+$0x0], $0xffff  }
0x69: {  	v41 =	vld.idx.msk [tilespmem:v33+s13+$0x0], $0xffff;
	v2 =	vadd.f32 v3, v2;
	v3 =	vmul.f32 v32, v31  }
0x6a: {  	v40 =	vld.idx.msk [tilespmem:v33+s12+$0x0], $0xffff;
	v42 =	vor.u32 $0x17, v1  }
0x6b: {  	v43 =	vld.idx.msk [tilespmem:v36+s12+$0x0], $0xffff;
	v2 =	vadd.f32 v3, v2;
	v3 =	vmul.f32 v35, v34  }
0x6c: {  	v45 =	vor.u32 $0x18, v1;
	v44 =	vld.idx.msk [tilespmem:v36+s13+$0x0], $0xffff  }
0x6d: {  	v46 =	vld.idx.msk [tilespmem:v39+s12+$0x0], $0xffff;
	v2 =	vadd.f32 v3, v2;
	v3 =	vmul.f32 v38, v37  }
0x6e: {  	v48 =	vor.u32 $0x19, v1;
	v47 =	vld.idx.msk [tilespmem:v39+s13+$0x0], $0xffff  }
0x6f: {  	v49 =	vld.idx.msk [tilespmem:v42+s12+$0x0], $0xffff;
	v2 =	vadd.f32 v3, v2;
	v3 =	vmul.f32 v41, v40  }
0x70: {  	v51 =	vor.u32 $0x1A, v1;
	v50 =	vld.idx.msk [tilespmem:v42+s13+$0x0], $0xffff  }
0x71: {  	v52 =	vld.idx.msk [tilespmem:v45+s12+$0x0], $0xffff;
	v2 =	vadd.f32 v3, v2;
	v3 =	vmul.f32 v44, v43  }
0x72: {  	v54 =	vor.u32 $0x1B, v1;
	v53 =	vld.idx.msk [tilespmem:v45+s13+$0x0], $0xffff  }
0x73: {  	v55 =	vld.idx.msk [tilespmem:v48+s12+$0x0], $0xffff;
	v2 =	vadd.f32 v3, v2;
	v3 =	vmul.f32 v47, v46  }
0x74: {  	v57 =	vor.u32 $0x1C, v1;
	v56 =	vld.idx.msk [tilespmem:v48+s13+$0x0], $0xffff  }
0x75: {  	v58 =	vld.idx.msk [tilespmem:v51+s12+$0x0], $0xffff;
	v2 =	vadd.f32 v3, v2;
	v3 =	vmul.f32 v50, v49  }
0x76: {  	v60 =	vor.u32 $0x1D, v1;
	v59 =	vld.idx.msk [tilespmem:v51+s13+$0x0], $0xffff  }
0x77: {  	v61 =	vld.idx.msk [tilespmem:v54+s12+$0x0], $0xffff;
	v2 =	vadd.f32 v3, v2;
	v3 =	vmul.f32 v53, v52  }
0x78: {  	v63 =	vor.u32 $0x1E, v1;
	v62 =	vld.idx.msk [tilespmem:v54+s13+$0x0], $0xffff  }
0x79: {  	v16 =	vld.idx.msk [tilespmem:v57+s12+$0x0], $0xffff;
	v2 =	vadd.f32 v3, v2;
	v3 =	vmul.f32 v56, v55  }
0x7a: {  	v1 =	vor.u32 $0x1F, v1;
	v17 =	vld.idx.msk [tilespmem:v57+s13+$0x0], $0xffff  }
0x7b: {  	v18 =	vld.idx.msk [tilespmem:v60+s12+$0x0], $0xffff;
	v2 =	vadd.f32 v3, v2;
	v3 =	vmul.f32 v59, v58  }
0x7c: {  	v19 =	vld.idx.msk [tilespmem:v60+s13+$0x0], $0xffff  }
0x7d: {  	v21 =	vld.idx.msk [tilespmem:v63+s13+$0x0], $0xffff;
	v2 =	vadd.f32 v3, v2;
	v3 =	vmul.f32 v62, v61  }
0x7e: {  	v20 =	vld.idx.msk [tilespmem:v63+s12+$0x0], $0xffff  }
0x7f: {  	v22 =	vld.idx.msk [tilespmem:v1+s12+$0x0], $0xffff;
	v2 =	vadd.f32 v3, v2;
	v3 =	vmul.f32 v17, v16  }
0x80: {  	v1 =	vld.idx.msk [tilespmem:v1+s13+$0x0], $0xffff  }
0x81: {  	v2 =	vadd.f32 v3, v2;
	v3 =	vmul.f32 v19, v18;
	_ =	sdelay $0x1  }
0x82: {  	v2 =	vadd.f32 v3, v2;
	v3 =	vmul.f32 v21, v20;
	_ =	sdelay $0x1  }
0x83: {  	v1 =	vmul.f32 v1, v22;
	v2 =	vadd.f32 v3, v2;
	_ =	sdelay $0x1  }
0x84: {  	v1 =	vadd.f32 v1, v2;
	_ =	sdelay $0x1  }
0x85: {  	v1 =	vsub.f32 $0.0e+00, v1;
	_ =	sdelay $0x1  }
0x86: {  	v1 =	vmul.f32 $1.442695020e+00, v1;
	_ =	sdelay $0x1  }
0x87: {  	(erf) = vpow2.f32 v1;
	_ =	sdelay $0x8  }
0x88: {  	v1 =	vpop (erf)  }
0x89: {  	v1 =	vadd.f32 $1.000000000e+00, v1;
	_ =	sdelay $0x1  }
0x8a: {  	(erf) = vrcp.f32 v1;
	_ =	sdelay $0x2  }
0x8b: {  	s29 =	simm.s32 $0x10  }
0x8c: {  	v1 =	vmov s29  }
0x8d: {  	v1 =	vshll.u32 v1, $0x5  }
0x8e: {  	v1 =	vor.u32 v0, v1;
	_ =	sdelay $0x1  }
0x8f: {  	v2 =	vor.u32 $0x1, v1  }
0x90: {  	v3 =	vpop (erf)  }
0x91: {  	v23 =	vor.u32 $0x2, v1;
	[tilespmem:s26+$0x0] =	vst v3  }
0x92: {  	v3 =	vld.idx.msk [tilespmem:v1+s13+$0x0], $0xffff  }
0x93: {  	v25 =	vor.u32 $0x3, v1;
	v24 =	vld.idx.msk [tilespmem:v1+s12+$0x0], $0xffff  }
0x94: {  	v26 =	vld.idx.msk [tilespmem:v2+s12+$0x0], $0xffff  }
0x95: {  	v27 =	vor.u32 $0x4, v1;
	v2 =	vld.idx.msk [tilespmem:v2+s13+$0x0], $0xffff  }
0x96: {  	v28 =	vld.idx.msk [tilespmem:v23+s12+$0x0], $0xffff  }
0x97: {  	v29 =	vor.u32 $0x5, v1;
	v4 =	vld.idx.msk [tilespmem:v23+s13+$0x0], $0xffff  }
0x98: {  	v30 =	vld.idx.msk [tilespmem:v25+s12+$0x0], $0xffff;
	v3 =	vmul.f32 v3, v24  }
0x99: {  	v32 =	vor.u32 $0x6, v1;
	v31 =	vld.idx.msk [tilespmem:v25+s13+$0x0], $0xffff  }
0x9a: {  	v33 =	vld.idx.msk [tilespmem:v27+s12+$0x0], $0xffff;
	v2 =	vmul.f32 v2, v26;
	v3 =	vadd.f32 $0.0e+00, v3  }
0x9b: {  	v35 =	vor.u32 $0x7, v1;
	v34 =	vld.idx.msk [tilespmem:v27+s13+$0x0], $0xffff  }
0x9c: {  	v36 =	vld.idx.msk [tilespmem:v29+s12+$0x0], $0xffff;
	v2 =	vadd.f32 v2, v3;
	v3 =	vmul.f32 v4, v28  }
0x9d: {  	v38 =	vor.u32 $0x8, v1;
	v37 =	vld.idx.msk [tilespmem:v29+s13+$0x0], $0xffff  }
0x9e: {  	v39 =	vld.idx.msk [tilespmem:v32+s12+$0x0], $0xffff;
	v2 =	vadd.f32 v3, v2;
	v3 =	vmul.f32 v31, v30  }
0x9f: {  	v41 =	vor.u32 $0x9, v1;
	v40 =	vld.idx.msk [tilespmem:v32+s13+$0x0], $0xffff  }
0xa0: {  	v42 =	vld.idx.msk [tilespmem:v35+s12+$0x0], $0xffff;
	v2 =	vadd.f32 v3, v2;
	v3 =	vmul.f32 v34, v33  }
0xa1: {  	v44 =	vor.u32 $0xA, v1;
	v43 =	vld.idx.msk [tilespmem:v35+s13+$0x0], $0xffff  }
0xa2: {  	v45 =	vld.idx.msk [tilespmem:v38+s12+$0x0], $0xffff;
	v2 =	vadd.f32 v3, v2;
	v3 =	vmul.f32 v37, v36  }
0xa3: {  	v47 =	vor.u32 $0xB, v1;
	v46 =	vld.idx.msk [tilespmem:v38+s13+$0x0], $0xffff  }
0xa4: {  	v48 =	vld.idx.msk [tilespmem:v41+s12+$0x0], $0xffff;
	v2 =	vadd.f32 v3, v2;
	v3 =	vmul.f32 v40, v39  }
0xa5: {  	v50 =	vor.u32 $0xC, v1;
	v49 =	vld.idx.msk [tilespmem:v41+s13+$0x0], $0xffff  }
0xa6: {  	v51 =	vld.idx.msk [tilespmem:v44+s12+$0x0], $0xffff;
	v2 =	vadd.f32 v3, v2;
	v3 =	vmul.f32 v43, v42  }
0xa7: {  	v53 =	vor.u32 $0xD, v1;
	v52 =	vld.idx.msk [tilespmem:v44+s13+$0x0], $0xffff  }
0xa8: {  	v54 =	vld.idx.msk [tilespmem:v47+s12+$0x0], $0xffff;
	v2 =	vadd.f32 v3, v2;
	v3 =	vmul.f32 v46, v45  }
0xa9: {  	v56 =	vor.u32 $0xE, v1;
	v55 =	vld.idx.msk [tilespmem:v47+s13+$0x0], $0xffff  }
0xaa: {  	v57 =	vld.idx.msk [tilespmem:v50+s12+$0x0], $0xffff;
	v2 =	vadd.f32 v3, v2;
	v3 =	vmul.f32 v49, v48  }
0xab: {  	v59 =	vor.u32 $0xF, v1;
	v58 =	vld.idx.msk [tilespmem:v50+s13+$0x0], $0xffff  }
0xac: {  	v60 =	vld.idx.msk [tilespmem:v53+s12+$0x0], $0xffff;
	v2 =	vadd.f32 v3, v2;
	v3 =	vmul.f32 v52, v51  }
0xad: {  	v62 =	vor.u32 $0x10, v1;
	v61 =	vld.idx.msk [tilespmem:v53+s13+$0x0], $0xffff  }
0xae: {  	v63 =	vld.idx.msk [tilespmem:v56+s12+$0x0], $0xffff;
	v2 =	vadd.f32 v3, v2;
	v3 =	vmul.f32 v55, v54  }
0xaf: {  	v17 =	vor.u32 $0x11, v1;
	v16 =	vld.idx.msk [tilespmem:v56+s13+$0x0], $0xffff  }
0xb0: {  	v18 =	vld.idx.msk [tilespmem:v59+s12+$0x0], $0xffff;
	v2 =	vadd.f32 v3, v2;
	v3 =	vmul.f32 v58, v57  }
0xb1: {  	v20 =	vor.u32 $0x12, v1;
	v19 =	vld.idx.msk [tilespmem:v59+s13+$0x0], $0xffff  }
0xb2: {  	v21 =	vld.idx.msk [tilespmem:v62+s12+$0x0], $0xffff;
	v2 =	vadd.f32 v3, v2;
	v3 =	vmul.f32 v61, v60  }
0xb3: {  	v22 =	vld.idx.msk [tilespmem:v62+s13+$0x0], $0xffff;
	v23 =	vor.u32 $0x13, v1  }
0xb4: {  	v25 =	vld.idx.msk [tilespmem:v17+s13+$0x0], $0xffff;
	v2 =	vadd.f32 v3, v2;
	v3 =	vmul.f32 v16, v63  }
0xb5: {  	v24 =	vld.idx.msk [tilespmem:v17+s12+$0x0], $0xffff;
	v26 =	vor.u32 $0x14, v1  }
0xb6: {  	v27 =	vld.idx.msk [tilespmem:v20+s12+$0x0], $0xffff;
	v2 =	vadd.f32 v3, v2;
	v3 =	vmul.f32 v19, v18  }
0xb7: {  	v29 =	vor.u32 $0x15, v1;
	v28 =	vld.idx.msk [tilespmem:v20+s13+$0x0], $0xffff  }
0xb8: {  	v30 =	vld.idx.msk [tilespmem:v23+s12+$0x0], $0xffff;
	v2 =	vadd.f32 v3, v2;
	v3 =	vmul.f32 v22, v21  }
0xb9: {  	v32 =	vor.u32 $0x16, v1;
	v31 =	vld.idx.msk [tilespmem:v23+s13+$0x0], $0xffff  }
0xba: {  	v33 =	vld.idx.msk [tilespmem:v26+s12+$0x0], $0xffff;
	v2 =	vadd.f32 v3, v2;
	v3 =	vmul.f32 v25, v24  }
0xbb: {  	v35 =	vor.u32 $0x17, v1;
	v34 =	vld.idx.msk [tilespmem:v26+s13+$0x0], $0xffff  }
0xbc: {  	v36 =	vld.idx.msk [tilespmem:v29+s12+$0x0], $0xffff;
	v2 =	vadd.f32 v3, v2;
	v3 =	vmul.f32 v28, v27  }
0xbd: {  	v38 =	vor.u32 $0x18, v1;
	v37 =	vld.idx.msk [tilespmem:v29+s13+$0x0], $0xffff  }
0xbe: {  	v39 =	vld.idx.msk [tilespmem:v32+s12+$0x0], $0xffff;
	v2 =	vadd.f32 v3, v2;
	v3 =	vmul.f32 v31, v30  }
0xbf: {  	v41 =	vor.u32 $0x19, v1;
	v40 =	vld.idx.msk [tilespmem:v32+s13+$0x0], $0xffff  }
0xc0: {  	v42 =	vld.idx.msk [tilespmem:v35+s12+$0x0], $0xffff;
	v2 =	vadd.f32 v3, v2;
	v3 =	vmul.f32 v34, v33  }
0xc1: {  	v44 =	vor.u32 $0x1A, v1;
	v43 =	vld.idx.msk [tilespmem:v35+s13+$0x0], $0xffff  }
0xc2: {  	v45 =	vld.idx.msk [tilespmem:v38+s12+$0x0], $0xffff;
	v2 =	vadd.f32 v3, v2;
	v3 =	vmul.f32 v37, v36  }
0xc3: {  	v47 =	vor.u32 $0x1B, v1;
	v46 =	vld.idx.msk [tilespmem:v38+s13+$0x0], $0xffff  }
0xc4: {  	v48 =	vld.idx.msk [tilespmem:v41+s12+$0x0], $0xffff;
	v2 =	vadd.f32 v3, v2;
	v3 =	vmul.f32 v40, v39  }
0xc5: {  	v50 =	vor.u32 $0x1C, v1;
	v49 =	vld.idx.msk [tilespmem:v41+s13+$0x0], $0xffff  }
0xc6: {  	v51 =	vld.idx.msk [tilespmem:v44+s12+$0x0], $0xffff;
	v2 =	vadd.f32 v3, v2;
	v3 =	vmul.f32 v43, v42  }
0xc7: {  	v53 =	vor.u32 $0x1D, v1;
	v52 =	vld.idx.msk [tilespmem:v44+s13+$0x0], $0xffff  }
0xc8: {  	v54 =	vld.idx.msk [tilespmem:v47+s12+$0x0], $0xffff;
	v2 =	vadd.f32 v3, v2;
	v3 =	vmul.f32 v46, v45  }
0xc9: {  	v56 =	vor.u32 $0x1E, v1;
	v55 =	vld.idx.msk [tilespmem:v47+s13+$0x0], $0xffff  }
0xca: {  	v57 =	vld.idx.msk [tilespmem:v50+s12+$0x0], $0xffff;
	v2 =	vadd.f32 v3, v2;
	v3 =	vmul.f32 v49, v48  }
0xcb: {  	v1 =	vor.u32 $0x1F, v1;
	v58 =	vld.idx.msk [tilespmem:v50+s13+$0x0], $0xffff  }
0xcc: {  	v59 =	vld.idx.msk [tilespmem:v53+s12+$0x0], $0xffff;
	v2 =	vadd.f32 v3, v2;
	v3 =	vmul.f32 v52, v51  }
0xcd: {  	v60 =	vld.idx.msk [tilespmem:v53+s13+$0x0], $0xffff  }
0xce: {  	v62 =	vld.idx.msk [tilespmem:v56+s13+$0x0], $0xffff;
	v2 =	vadd.f32 v3, v2;
	v3 =	vmul.f32 v55, v54  }
0xcf: {  	v61 =	vld.idx.msk [tilespmem:v56+s12+$0x0], $0xffff  }
0xd0: {  	v63 =	vld.idx.msk [tilespmem:v1+s12+$0x0], $0xffff;
	v2 =	vadd.f32 v3, v2;
	v3 =	vmul.f32 v58, v57  }
0xd1: {  	v1 =	vld.idx.msk [tilespmem:v1+s13+$0x0], $0xffff  }
0xd2: {  	v2 =	vadd.f32 v3, v2;
	v3 =	vmul.f32 v60, v59;
	_ =	sdelay $0x1  }
0xd3: {  	v2 =	vadd.f32 v3, v2;
	v3 =	vmul.f32 v62, v61;
	_ =	sdelay $0x1  }
0xd4: {  	v1 =	vmul.f32 v1, v63;
	v2 =	vadd.f32 v3, v2;
	_ =	sdelay $0x1  }
0xd5: {  	v1 =	vadd.f32 v1, v2;
	_ =	sdelay $0x1  }
0xd6: {  	v1 =	vsub.f32 $0.0e+00, v1;
	_ =	sdelay $0x1  }
0xd7: {  	v1 =	vmul.f32 $1.442695020e+00, v1;
	_ =	sdelay $0x1  }
0xd8: {  	(erf) = vpow2.f32 v1;
	_ =	sdelay $0x8  }
0xd9: {  	v1 =	vpop (erf)  }
0xda: {  	v1 =	vadd.f32 $1.000000000e+00, v1;
	_ =	sdelay $0x1  }
0xdb: {  	(erf) = vrcp.f32 v1;
	_ =	sdelay $0x2  }
0xdc: {  	s29 =	simm.s32 $0x20  }
0xdd: {  	v2 =	vmov s29  }
0xde: {  	s30 =	simm.s32 $0x30;
	s29 =	simm.s32 $0x8400;
	v1 =	vshll.u32 v2, $0x5  }
.LBB2_2:
0xdf: {  	p0 =	sne.s32 s30, $0x1F0;
	v1 =	vor.u32 v0, v1;
	_ =	sdelay $0x1  }
0xe0: {  	v2 =	vor.u32 $0x1, v1  }
0xe1: {  	s29 =	sadd.s32 $0x10, s29;
	v3 =	vpop (erf)  }
0xe2: {  	v4 =	vor.u32 $0x2, v1;
	[tilespmem:s29+$0x0] =	vst v3  }
0xe3: {  	v3 =	vld.idx.msk [tilespmem:v1+s13+$0x0], $0xffff  }
0xe4: {  	v6 =	vor.u32 $0x3, v1;
	v5 =	vld.idx.msk [tilespmem:v1+s12+$0x0], $0xffff  }
0xe5: {  	v7 =	vld.idx.msk [tilespmem:v2+s12+$0x0], $0xffff  }
0xe6: {  	v8 =	vor.u32 $0x4, v1;
	v2 =	vld.idx.msk [tilespmem:v2+s13+$0x0], $0xffff  }
0xe7: {  	v9 =	vld.idx.msk [tilespmem:v4+s12+$0x0], $0xffff  }
0xe8: {  	v10 =	vor.u32 $0x5, v1;
	v4 =	vld.idx.msk [tilespmem:v4+s13+$0x0], $0xffff  }
0xe9: {  	v11 =	vld.idx.msk [tilespmem:v6+s12+$0x0], $0xffff  }
0xea: {  	v3 =	vmul.f32 v3, v5;
	v5 =	vld.idx.msk [tilespmem:v6+s13+$0x0], $0xffff;
	v6 =	vor.u32 $0x6, v1  }
0xeb: {  	v12 =	vld.idx.msk [tilespmem:v8+s12+$0x0], $0xffff  }
0xec: {  	v3 =	vadd.f32 $0.0e+00, v3;
	v2 =	vmul.f32 v2, v7;
	v7 =	vld.idx.msk [tilespmem:v8+s13+$0x0], $0xffff;
	v8 =	vor.u32 $0x7, v1  }
0xed: {  	v13 =	vld.idx.msk [tilespmem:v10+s12+$0x0], $0xffff  }
0xee: {  	v2 =	vadd.f32 v2, v3;
	v3 =	vmul.f32 v4, v9;
	v9 =	vor.u32 $0x8, v1;
	v4 =	vld.idx.msk [tilespmem:v10+s13+$0x0], $0xffff  }
0xef: {  	v10 =	vld.idx.msk [tilespmem:v6+s12+$0x0], $0xffff  }
0xf0: {  	v2 =	vadd.f32 v3, v2;
	v3 =	vmul.f32 v5, v11;
	v5 =	vld.idx.msk [tilespmem:v6+s13+$0x0], $0xffff;
	v6 =	vor.u32 $0x9, v1  }
0xf1: {  	v11 =	vld.idx.msk [tilespmem:v8+s12+$0x0], $0xffff  }
0xf2: {  	v2 =	vadd.f32 v3, v2;
	v3 =	vmul.f32 v7, v12;
	v7 =	vld.idx.msk [tilespmem:v8+s13+$0x0], $0xffff;
	v8 =	vor.u32 $0xA, v1  }
0xf3: {  	v12 =	vld.idx.msk [tilespmem:v9+s12+$0x0], $0xffff  }
0xf4: {  	v2 =	vadd.f32 v3, v2;
	v3 =	vmul.f32 v4, v13;
	v4 =	vld.idx.msk [tilespmem:v9+s13+$0x0], $0xffff;
	v9 =	vor.u32 $0xB, v1  }
0xf5: {  	v13 =	vld.idx.msk [tilespmem:v6+s12+$0x0], $0xffff  }
0xf6: {  	v2 =	vadd.f32 v3, v2;
	v3 =	vmul.f32 v5, v10;
	v5 =	vld.idx.msk [tilespmem:v6+s13+$0x0], $0xffff;
	v6 =	vor.u32 $0xC, v1  }
0xf7: {  	v10 =	vld.idx.msk [tilespmem:v8+s12+$0x0], $0xffff  }
0xf8: {  	v2 =	vadd.f32 v3, v2;
	v3 =	vmul.f32 v7, v11;
	v7 =	vld.idx.msk [tilespmem:v8+s13+$0x0], $0xffff;
	v8 =	vor.u32 $0xD, v1  }
0xf9: {  	v11 =	vld.idx.msk [tilespmem:v9+s12+$0x0], $0xffff  }
0xfa: {  	v2 =	vadd.f32 v3, v2;
	v3 =	vmul.f32 v4, v12;
	v4 =	vld.idx.msk [tilespmem:v9+s13+$0x0], $0xffff;
	v9 =	vor.u32 $0xE, v1  }
0xfb: {  	v12 =	vld.idx.msk [tilespmem:v6+s12+$0x0], $0xffff  }
0xfc: {  	v2 =	vadd.f32 v3, v2;
	v3 =	vmul.f32 v5, v13;
	v5 =	vld.idx.msk [tilespmem:v6+s13+$0x0], $0xffff;
	v6 =	vor.u32 $0xF, v1  }
0xfd: {  	v13 =	vld.idx.msk [tilespmem:v8+s12+$0x0], $0xffff  }
0xfe: {  	v2 =	vadd.f32 v3, v2;
	v3 =	vmul.f32 v7, v10;
	v7 =	vld.idx.msk [tilespmem:v8+s13+$0x0], $0xffff;
	v8 =	vor.u32 $0x10, v1  }
0xff: {  	v10 =	vld.idx.msk [tilespmem:v9+s12+$0x0], $0xffff  }
0x100: {  	v2 =	vadd.f32 v3, v2;
	v3 =	vmul.f32 v4, v11;
	v4 =	vld.idx.msk [tilespmem:v9+s13+$0x0], $0xffff;
	v9 =	vor.u32 $0x11, v1  }
0x101: {  	v11 =	vld.idx.msk [tilespmem:v6+s12+$0x0], $0xffff  }
0x102: {  	v2 =	vadd.f32 v3, v2;
	v3 =	vmul.f32 v5, v12;
	v5 =	vld.idx.msk [tilespmem:v6+s13+$0x0], $0xffff;
	v6 =	vor.u32 $0x12, v1  }
0x103: {  	v12 =	vld.idx.msk [tilespmem:v8+s12+$0x0], $0xffff  }
0x104: {  	v2 =	vadd.f32 v3, v2;
	v3 =	vmul.f32 v7, v13;
	v7 =	vld.idx.msk [tilespmem:v8+s13+$0x0], $0xffff;
	v8 =	vor.u32 $0x13, v1  }
0x105: {  	v13 =	vld.idx.msk [tilespmem:v9+s12+$0x0], $0xffff  }
0x106: {  	v2 =	vadd.f32 v3, v2;
	v3 =	vmul.f32 v4, v10;
	v4 =	vld.idx.msk [tilespmem:v9+s13+$0x0], $0xffff;
	v9 =	vor.u32 $0x14, v1  }
0x107: {  	v10 =	vld.idx.msk [tilespmem:v6+s12+$0x0], $0xffff  }
0x108: {  	v2 =	vadd.f32 v3, v2;
	v3 =	vmul.f32 v5, v11;
	v5 =	vld.idx.msk [tilespmem:v6+s13+$0x0], $0xffff;
	v6 =	vor.u32 $0x15, v1  }
0x109: {  	v11 =	vld.idx.msk [tilespmem:v8+s12+$0x0], $0xffff  }
0x10a: {  	v2 =	vadd.f32 v3, v2;
	v3 =	vmul.f32 v7, v12;
	v7 =	vld.idx.msk [tilespmem:v8+s13+$0x0], $0xffff;
	v8 =	vor.u32 $0x16, v1  }
0x10b: {  	v12 =	vld.idx.msk [tilespmem:v9+s12+$0x0], $0xffff  }
0x10c: {  	v2 =	vadd.f32 v3, v2;
	v3 =	vmul.f32 v4, v13;
	v4 =	vld.idx.msk [tilespmem:v9+s13+$0x0], $0xffff;
	v9 =	vor.u32 $0x17, v1  }
0x10d: {  	v13 =	vld.idx.msk [tilespmem:v6+s12+$0x0], $0xffff  }
0x10e: {  	v2 =	vadd.f32 v3, v2;
	v3 =	vmul.f32 v5, v10;
	v5 =	vld.idx.msk [tilespmem:v6+s13+$0x0], $0xffff;
	v6 =	vor.u32 $0x18, v1  }
0x10f: {  	v10 =	vld.idx.msk [tilespmem:v8+s12+$0x0], $0xffff  }
0x110: {  	v2 =	vadd.f32 v3, v2;
	v3 =	vmul.f32 v7, v11;
	v7 =	vld.idx.msk [tilespmem:v8+s13+$0x0], $0xffff;
	v8 =	vor.u32 $0x19, v1  }
0x111: {  	v11 =	vld.idx.msk [tilespmem:v9+s12+$0x0], $0xffff  }
0x112: {  	v2 =	vadd.f32 v3, v2;
	v3 =	vmul.f32 v4, v12;
	v4 =	vld.idx.msk [tilespmem:v9+s13+$0x0], $0xffff;
	v9 =	vor.u32 $0x1A, v1  }
0x113: {  	v12 =	vld.idx.msk [tilespmem:v6+s12+$0x0], $0xffff  }
0x114: {  	v2 =	vadd.f32 v3, v2;
	v3 =	vmul.f32 v5, v13;
	v5 =	vld.idx.msk [tilespmem:v6+s13+$0x0], $0xffff;
	v6 =	vor.u32 $0x1B, v1  }
0x115: {  	v13 =	vld.idx.msk [tilespmem:v8+s12+$0x0], $0xffff  }
0x116: {  	v2 =	vadd.f32 v3, v2;
	v3 =	vmul.f32 v7, v10;
	v7 =	vld.idx.msk [tilespmem:v8+s13+$0x0], $0xffff;
	v8 =	vor.u32 $0x1C, v1  }
0x117: {  	v10 =	vld.idx.msk [tilespmem:v9+s12+$0x0], $0xffff  }
0x118: {  	v2 =	vadd.f32 v3, v2;
	v3 =	vmul.f32 v4, v11;
	v4 =	vld.idx.msk [tilespmem:v9+s13+$0x0], $0xffff;
	v9 =	vor.u32 $0x1D, v1  }
0x119: {  	v11 =	vld.idx.msk [tilespmem:v6+s12+$0x0], $0xffff  }
0x11a: {  	v2 =	vadd.f32 v3, v2;
	v3 =	vmul.f32 v5, v12;
	v5 =	vld.idx.msk [tilespmem:v6+s13+$0x0], $0xffff;
	v6 =	vor.u32 $0x1E, v1  }
0x11b: {  	v12 =	vld.idx.msk [tilespmem:v8+s12+$0x0], $0xffff  }
0x11c: {  	v1 =	vor.u32 $0x1F, v1;
	v2 =	vadd.f32 v3, v2;
	v3 =	vmul.f32 v7, v13;
	v7 =	vld.idx.msk [tilespmem:v8+s13+$0x0], $0xffff  }
0x11d: {  	v8 =	vld.idx.msk [tilespmem:v9+s12+$0x0], $0xffff  }
0x11e: {  	v2 =	vadd.f32 v3, v2;
	v3 =	vmul.f32 v4, v10;
	v4 =	vld.idx.msk [tilespmem:v9+s13+$0x0], $0xffff  }
0x11f: {  	v9 =	vld.idx.msk [tilespmem:v6+s12+$0x0], $0xffff  }
0x120: {  	v2 =	vadd.f32 v3, v2;
	v3 =	vmul.f32 v5, v11;
	v5 =	vld.idx.msk [tilespmem:v6+s13+$0x0], $0xffff  }
0x121: {  	v6 =	vld.idx.msk [tilespmem:v1+s12+$0x0], $0xffff  }
0x122: {  	v2 =	vadd.f32 v3, v2;
	v3 =	vmul.f32 v7, v12;
	v1 =	vld.idx.msk [tilespmem:v1+s13+$0x0], $0xffff;
	_ =	sdelay $0x1  }
0x123: {  	v2 =	vadd.f32 v3, v2;
	v3 =	vmul.f32 v4, v8;
	_ =	sdelay $0x1  }
0x124: {  	v2 =	vadd.f32 v3, v2;
	v3 =	vmul.f32 v5, v9;
	_ =	sdelay $0x1  }
0x125: {  	v2 =	vadd.f32 v3, v2;
	v1 =	vmul.f32 v1, v6;
	_ =	sdelay $0x1  }
0x126: {  	v1 =	vadd.f32 v1, v2;
	_ =	sdelay $0x1  }
0x127: {  	v1 =	vsub.f32 $0.0e+00, v1;
	_ =	sdelay $0x1  }
0x128: {  	v1 =	vmul.f32 $1.442695020e+00, v1;
	_ =	sdelay $0x1  }
0x129: {  	(erf) = vpow2.f32 v1;
	_ =	sdelay $0x8  }
0x12a: {  	v1 =	vpop (erf)  }
0x12b: {  	v1 =	vadd.f32 $1.000000000e+00, v1;
	_ =	sdelay $0x1  }
0x12c: {  	(erf) = vrcp.f32 v1  }
.Ltmp0:
0x12d: {  	(pc) =	sbr.rel @p0 .LBB2_2-.Ltmp0, $3  }
0x12e: {  	_ =	sdelay $0x1  }
0x12f: {  	v1 =	vmov s30  }
0x130: {  	s30 =	sadd.s32 $0x10, s30;
	v1 =	vshll.u32 v1, $0x5  }
0x131: {  	v1 =	vor.u32 v0, v1;
	_ =	sdelay $0x1  }
0x132: {  	v2 =	vor.u32 $0x1, v1  }
0x133: {  	s29 =	sadd.s32 $0x10, s29;
	v3 =	vpop (erf)  }
0x134: {  	v4 =	vor.u32 $0x2, v1;
	[tilespmem:s29+$0x0] =	vst v3  }
0x135: {  	v3 =	vld.idx.msk [tilespmem:v1+s13+$0x0], $0xffff  }
0x136: {  	v6 =	vor.u32 $0x3, v1;
	v5 =	vld.idx.msk [tilespmem:v1+s12+$0x0], $0xffff  }
0x137: {  	v7 =	vld.idx.msk [tilespmem:v2+s12+$0x0], $0xffff  }
0x138: {  	v8 =	vor.u32 $0x4, v1;
	v2 =	vld.idx.msk [tilespmem:v2+s13+$0x0], $0xffff  }
0x139: {  	v9 =	vld.idx.msk [tilespmem:v4+s12+$0x0], $0xffff  }
0x13a: {  	v10 =	vor.u32 $0x5, v1;
	v4 =	vld.idx.msk [tilespmem:v4+s13+$0x0], $0xffff  }
0x13b: {  	v11 =	vld.idx.msk [tilespmem:v6+s12+$0x0], $0xffff;
	v3 =	vmul.f32 v3, v5  }
0x13c: {  	v34 =	vor.u32 $0x6, v1;
	v33 =	vld.idx.msk [tilespmem:v6+s13+$0x0], $0xffff  }
0x13d: {  	v12 =	vld.idx.msk [tilespmem:v8+s12+$0x0], $0xffff;
	v2 =	vmul.f32 v2, v7;
	v3 =	vadd.f32 $0.0e+00, v3  }
0x13e: {  	v36 =	vor.u32 $0x7, v1;
	v35 =	vld.idx.msk [tilespmem:v8+s13+$0x0], $0xffff  }
0x13f: {  	v13 =	vld.idx.msk [tilespmem:v10+s12+$0x0], $0xffff;
	v2 =	vadd.f32 v2, v3;
	v3 =	vmul.f32 v4, v9  }
0x140: {  	v38 =	vor.u32 $0x8, v1;
	v37 =	vld.idx.msk [tilespmem:v10+s13+$0x0], $0xffff  }
0x141: {  	v39 =	vld.idx.msk [tilespmem:v34+s12+$0x0], $0xffff;
	v2 =	vadd.f32 v3, v2;
	v3 =	vmul.f32 v33, v11  }
0x142: {  	v41 =	vor.u32 $0x9, v1;
	v40 =	vld.idx.msk [tilespmem:v34+s13+$0x0], $0xffff  }
0x143: {  	v42 =	vld.idx.msk [tilespmem:v36+s12+$0x0], $0xffff;
	v2 =	vadd.f32 v3, v2;
	v3 =	vmul.f32 v35, v12  }
0x144: {  	v44 =	vor.u32 $0xA, v1;
	v43 =	vld.idx.msk [tilespmem:v36+s13+$0x0], $0xffff  }
0x145: {  	v45 =	vld.idx.msk [tilespmem:v38+s12+$0x0], $0xffff;
	v2 =	vadd.f32 v3, v2;
	v3 =	vmul.f32 v37, v13  }
0x146: {  	v47 =	vor.u32 $0xB, v1;
	v46 =	vld.idx.msk [tilespmem:v38+s13+$0x0], $0xffff  }
0x147: {  	v48 =	vld.idx.msk [tilespmem:v41+s12+$0x0], $0xffff;
	v2 =	vadd.f32 v3, v2;
	v3 =	vmul.f32 v40, v39  }
0x148: {  	v50 =	vor.u32 $0xC, v1;
	v49 =	vld.idx.msk [tilespmem:v41+s13+$0x0], $0xffff  }
0x149: {  	v51 =	vld.idx.msk [tilespmem:v44+s12+$0x0], $0xffff;
	v2 =	vadd.f32 v3, v2;
	v3 =	vmul.f32 v43, v42  }
0x14a: {  	v53 =	vor.u32 $0xD, v1;
	v52 =	vld.idx.msk [tilespmem:v44+s13+$0x0], $0xffff  }
0x14b: {  	v54 =	vld.idx.msk [tilespmem:v47+s12+$0x0], $0xffff;
	v2 =	vadd.f32 v3, v2;
	v3 =	vmul.f32 v46, v45  }
0x14c: {  	v56 =	vor.u32 $0xE, v1;
	v55 =	vld.idx.msk [tilespmem:v47+s13+$0x0], $0xffff  }
0x14d: {  	v57 =	vld.idx.msk [tilespmem:v50+s12+$0x0], $0xffff;
	v2 =	vadd.f32 v3, v2;
	v3 =	vmul.f32 v49, v48  }
0x14e: {  	v59 =	vor.u32 $0xF, v1;
	v58 =	vld.idx.msk [tilespmem:v50+s13+$0x0], $0xffff  }
0x14f: {  	v60 =	vld.idx.msk [tilespmem:v53+s12+$0x0], $0xffff;
	v2 =	vadd.f32 v3, v2;
	v3 =	vmul.f32 v52, v51  }
0x150: {  	v62 =	vor.u32 $0x10, v1;
	v61 =	vld.idx.msk [tilespmem:v53+s13+$0x0], $0xffff  }
0x151: {  	v63 =	vld.idx.msk [tilespmem:v56+s12+$0x0], $0xffff;
	v2 =	vadd.f32 v3, v2;
	v3 =	vmul.f32 v55, v54  }
0x152: {  	v17 =	vor.u32 $0x11, v1;
	v16 =	vld.idx.msk [tilespmem:v56+s13+$0x0], $0xffff  }
0x153: {  	v18 =	vld.idx.msk [tilespmem:v59+s12+$0x0], $0xffff;
	v2 =	vadd.f32 v3, v2;
	v3 =	vmul.f32 v58, v57  }
0x154: {  	v20 =	vor.u32 $0x12, v1;
	v19 =	vld.idx.msk [tilespmem:v59+s13+$0x0], $0xffff  }
0x155: {  	v21 =	vld.idx.msk [tilespmem:v62+s12+$0x0], $0xffff;
	v2 =	vadd.f32 v3, v2;
	v3 =	vmul.f32 v61, v60  }
0x156: {  	v23 =	vor.u32 $0x13, v1;
	v22 =	vld.idx.msk [tilespmem:v62+s13+$0x0], $0xffff  }
0x157: {  	v24 =	vld.idx.msk [tilespmem:v17+s12+$0x0], $0xffff;
	v2 =	vadd.f32 v3, v2;
	v3 =	vmul.f32 v16, v63  }
0x158: {  	v26 =	vor.u32 $0x14, v1;
	v25 =	vld.idx.msk [tilespmem:v17+s13+$0x0], $0xffff  }
0x159: {  	v27 =	vld.idx.msk [tilespmem:v20+s12+$0x0], $0xffff;
	v2 =	vadd.f32 v3, v2;
	v3 =	vmul.f32 v19, v18  }
0x15a: {  	v29 =	vor.u32 $0x15, v1;
	v28 =	vld.idx.msk [tilespmem:v20+s13+$0x0], $0xffff  }
0x15b: {  	v30 =	vld.idx.msk [tilespmem:v23+s12+$0x0], $0xffff;
	v2 =	vadd.f32 v3, v2;
	v3 =	vmul.f32 v22, v21  }
0x15c: {  	v32 =	vor.u32 $0x16, v1;
	v31 =	vld.idx.msk [tilespmem:v23+s13+$0x0], $0xffff  }
0x15d: {  	v34 =	vld.idx.msk [tilespmem:v26+s13+$0x0], $0xffff;
	v2 =	vadd.f32 v3, v2;
	v3 =	vmul.f32 v25, v24  }
0x15e: {  	v33 =	vld.idx.msk [tilespmem:v26+s12+$0x0], $0xffff;
	v35 =	vor.u32 $0x17, v1  }
0x15f: {  	v36 =	vld.idx.msk [tilespmem:v29+s12+$0x0], $0xffff;
	v2 =	vadd.f32 v3, v2;
	v3 =	vmul.f32 v28, v27  }
0x160: {  	v38 =	vor.u32 $0x18, v1;
	v37 =	vld.idx.msk [tilespmem:v29+s13+$0x0], $0xffff  }
0x161: {  	v39 =	vld.idx.msk [tilespmem:v32+s12+$0x0], $0xffff;
	v2 =	vadd.f32 v3, v2;
	v3 =	vmul.f32 v31, v30  }
0x162: {  	v41 =	vor.u32 $0x19, v1;
	v40 =	vld.idx.msk [tilespmem:v32+s13+$0x0], $0xffff  }
0x163: {  	v42 =	vld.idx.msk [tilespmem:v35+s12+$0x0], $0xffff;
	v2 =	vadd.f32 v3, v2;
	v3 =	vmul.f32 v34, v33  }
0x164: {  	v44 =	vor.u32 $0x1A, v1;
	v43 =	vld.idx.msk [tilespmem:v35+s13+$0x0], $0xffff  }
0x165: {  	v45 =	vld.idx.msk [tilespmem:v38+s12+$0x0], $0xffff;
	v2 =	vadd.f32 v3, v2;
	v3 =	vmul.f32 v37, v36  }
0x166: {  	v47 =	vor.u32 $0x1B, v1;
	v46 =	vld.idx.msk [tilespmem:v38+s13+$0x0], $0xffff  }
0x167: {  	v48 =	vld.idx.msk [tilespmem:v41+s12+$0x0], $0xffff;
	v2 =	vadd.f32 v3, v2;
	v3 =	vmul.f32 v40, v39  }
0x168: {  	v50 =	vor.u32 $0x1C, v1;
	v49 =	vld.idx.msk [tilespmem:v41+s13+$0x0], $0xffff  }
0x169: {  	v51 =	vld.idx.msk [tilespmem:v44+s12+$0x0], $0xffff;
	v2 =	vadd.f32 v3, v2;
	v3 =	vmul.f32 v43, v42  }
0x16a: {  	v53 =	vor.u32 $0x1D, v1;
	v52 =	vld.idx.msk [tilespmem:v44+s13+$0x0], $0xffff  }
0x16b: {  	v54 =	vld.idx.msk [tilespmem:v47+s12+$0x0], $0xffff;
	v2 =	vadd.f32 v3, v2;
	v3 =	vmul.f32 v46, v45  }
0x16c: {  	v56 =	vor.u32 $0x1E, v1;
	v55 =	vld.idx.msk [tilespmem:v47+s13+$0x0], $0xffff  }
0x16d: {  	v57 =	vld.idx.msk [tilespmem:v50+s12+$0x0], $0xffff;
	v2 =	vadd.f32 v3, v2;
	v3 =	vmul.f32 v49, v48  }
0x16e: {  	v1 =	vor.u32 $0x1F, v1;
	v58 =	vld.idx.msk [tilespmem:v50+s13+$0x0], $0xffff  }
0x16f: {  	v59 =	vld.idx.msk [tilespmem:v53+s12+$0x0], $0xffff;
	v2 =	vadd.f32 v3, v2;
	v3 =	vmul.f32 v52, v51  }
0x170: {  	v60 =	vld.idx.msk [tilespmem:v53+s13+$0x0], $0xffff  }
0x171: {  	v62 =	vld.idx.msk [tilespmem:v56+s13+$0x0], $0xffff;
	v2 =	vadd.f32 v3, v2;
	v3 =	vmul.f32 v55, v54  }
0x172: {  	v61 =	vld.idx.msk [tilespmem:v56+s12+$0x0], $0xffff  }
0x173: {  	v63 =	vld.idx.msk [tilespmem:v1+s12+$0x0], $0xffff;
	v2 =	vadd.f32 v3, v2;
	v3 =	vmul.f32 v58, v57  }
0x174: {  	v1 =	vld.idx.msk [tilespmem:v1+s13+$0x0], $0xffff  }
0x175: {  	v2 =	vadd.f32 v3, v2;
	v3 =	vmul.f32 v60, v59;
	_ =	sdelay $0x1  }
0x176: {  	v2 =	vadd.f32 v3, v2;
	v3 =	vmul.f32 v62, v61;
	_ =	sdelay $0x1  }
0x177: {  	v1 =	vmul.f32 v1, v63;
	v2 =	vadd.f32 v3, v2;
	_ =	sdelay $0x1  }
0x178: {  	v1 =	vadd.f32 v1, v2;
	_ =	sdelay $0x1  }
0x179: {  	v1 =	vsub.f32 $0.0e+00, v1;
	_ =	sdelay $0x1  }
0x17a: {  	v1 =	vmul.f32 $1.442695020e+00, v1;
	_ =	sdelay $0x1  }
0x17b: {  	(erf) = vpow2.f32 v1;
	_ =	sdelay $0x8  }
0x17c: {  	v1 =	vpop (erf)  }
0x17d: {  	v1 =	vadd.f32 $1.000000000e+00, v1;
	_ =	sdelay $0x1  }
0x17e: {  	(erf) = vrcp.f32 v1;
	_ =	sdelay $0x7  }
0x17f: {  	s28 =	sadd.s32 $0x1, s28  }
0x180: {  	p0 =	sne.s32 s28, s8;
	s29 =	sadd.s32 $0x10, s29;
	v1 =	vpop (erf)  }
.Ltmp1:
0x181: {  	[tilespmem:s29+$0x0] =	vst v1;
	(pc) =	sbr.rel @p0 .LBB2_1-.Ltmp1, $4  }
0x182: {  	[hbm4b:s7+s1] =	stream.linear.scatter [tilespmem:s26], [sflag:$0x2], $0x200, $0x38;
	[tilespmem:$0x8600] =	vst v63  }
0x183: {  	_ =	swait.ge [sflag:s9], $0x200  }
0x184: {  	[sflag:s9] =	ssyncset.done $0x0  }
0x185: {  	[sflag:s9] =	ssyncadd.s32 $0xFFFFFE00  }
0x186: {  	_ =	sfence.sel $0x180000  }
0x187: {  	[bflag:$0x0] =	sbarrier.arrive $0xFFFF  }
0x188: {  	p0 =	sne.s32 s2, $0x0;
	_ =	strace $0x90000047  }
0x189: {  	s0 =	sadd.s32 @!p0 $0x100000, s0;
	[bflag:$0x2] =	sbarrier.arrive $0xFFFF  }
0x18a: {  	[sflag:s0] =	ssyncadd.tile.s32 @!p0 $0x1;
	_ =	shalt  }
.Lfunc_end2:
_tile_overlayer_lowered:
.L_overlay_start_2:
0x18b: {  	(tag) =	ssettag $0x2  }
0x18c: {  	s0 =	rddreg [dreg:$0x0];
	s2 =	stileid.u32  }
0x18d: {  	s1 =	rddreg [dreg:$0x1];
	p0 =	sne.s32 s2, $0x0  }
0x18e: {  	s3 =	rddreg [dreg:$0x2];
	[bflag:$0x3] =	sbarrier.arrive $0xFFFF;
	s2 =	simm.s32 @!p0 $0x1C02  }
0x18f: {  	[timem:s3], [sflag:s2] =	dma.local @!p0 [hbm:s0], s1  }
0x190: {  	s0 =	simm.s32 @!p0 $0x2  }
0x191: {  	_ =	swait.ge @!p0 [sflag:s0], s1  }
0x192: {  	s1 =	ssub.s32 @!p0 $0x0, s1;
	[sflag:s0] =	ssyncset.done @!p0 $0x0  }
0x193: {  	[sflag:s0] =	ssyncadd.s32 @!p0 s1  }
0x194: {  	[bflag:$0x3] =	sbarrier.arrive $0xFFFF  }
0x195: {  	_ =	shalt  }

</sc_bundles>
